<compile_context>
chip_gen: v7x
topology: tpu7x:2x2x1
jax: 0.10.2.dev20260603
libtpu: 0.0.44.dev20260713+nightly
codegen_flags: <defaults>
</compile_context>

<pallas_src>
import functools

import jax
import jax.numpy as jnp
from jax import lax
from jax.experimental import pallas as pl
from jax.experimental.pallas import tpu as pltpu
from jax.experimental.pallas import tpu_sc as plsc

B = 8
N = 480000
S = 48
W = 346
H = 260
SEG = N // S
SIDX = 3
NW = 32
PAIRS_PER_W = (B * S) // NW

PX = 352
PY = 272


def _sc_hist_body(code_hbm, ox_hbm, oy_hbm, buf0, buf1, obx0, oby0, obx1,
                  oby1, isem0, isem1, osem0, osem1):
    cid = lax.axis_index("c")
    sid = lax.axis_index("s")
    wid = sid * 2 + cid
    ones = jnp.full((16,), 1.0, jnp.float32)
    zeros = jnp.zeros((16,), jnp.float32)
    mask9 = jnp.full((16,), 511, jnp.int32)

    def src_at(k):
        pair = wid * PAIRS_PER_W + k
        b = pair // S
        s = pair % S
        return code_hbm.at[pl.ds(b * N + s * SEG, SEG)], b, s

    def fire(k, dst, sem):
        src, _, _ = src_at(k)
        pltpu.async_copy(src, dst, sem)

    def drain_in(dst, sem):
        pltpu.make_async_copy(code_hbm.at[pl.ds(0, SEG)], dst, sem).wait()

    def compute(k, src, obx, oby, osem):
        _, b, s = src_at(k)

        @pl.when(k >= 2)
        def _():
            pltpu.make_async_copy(obx, ox_hbm.at[0, 0, :], osem).wait()
            pltpu.make_async_copy(oby, oy_hbm.at[0, 0, :], osem).wait()

        for j in range(PX // 16):
            obx[pl.ds(j * 16, 16)] = zeros
        for j in range(PY // 16):
            oby[pl.ds(j * 16, 16)] = zeros

        @plsc.parallel_loop(0, SEG, step=16, unroll=10)
        def scat(nn):
            code = src[pl.ds(nn, 16)]
            xv = lax.bitwise_and(code, mask9)
            yv = lax.shift_right_logical(code, 9)
            plsc.addupdate_scatter(obx, [xv], ones)
            plsc.addupdate_scatter(oby, [yv], ones)

        pltpu.async_copy(obx, ox_hbm.at[b, s, :], osem)
        pltpu.async_copy(oby, oy_hbm.at[b, s, :], osem)

    fire(0, buf0, isem0)

    def loop(k2, carry):
        k = k2 * 2
        drain_in(buf0, isem0)
        fire(k + 1, buf1, isem1)
        compute(k, buf0, obx0, oby0, osem0)
        drain_in(buf1, isem1)

        @pl.when(k + 2 < PAIRS_PER_W)
        def _():
            fire(k + 2, buf0, isem0)

        compute(k + 1, buf1, obx1, oby1, osem1)
        return carry

    lax.fori_loop(0, PAIRS_PER_W // 2, loop, 0)

    pltpu.make_async_copy(obx0, ox_hbm.at[0, 0, :], osem0).wait()
    pltpu.make_async_copy(oby0, oy_hbm.at[0, 0, :], osem0).wait()
    pltpu.make_async_copy(obx1, ox_hbm.at[0, 0, :], osem1).wait()
    pltpu.make_async_copy(oby1, oy_hbm.at[0, 0, :], osem1).wait()


@functools.lru_cache(maxsize=None)
def _build_sc_hist():
    return functools.partial(
        pl.kernel,
        mesh=plsc.VectorSubcoreMesh(core_axis_name="c", subcore_axis_name="s"),
        compiler_params=pltpu.CompilerParams(
            use_tc_tiling_on_sc=False, needs_layout_passes=False),
        out_type=[
            jax.ShapeDtypeStruct((B, S, PX), jnp.float32),
            jax.ShapeDtypeStruct((B, S, PY), jnp.float32),
        ],
        scratch_types=[
            pltpu.VMEM((SEG,), jnp.int32),
            pltpu.VMEM((SEG,), jnp.int32),
            pltpu.VMEM((PX,), jnp.float32),
            pltpu.VMEM((PY,), jnp.float32),
            pltpu.VMEM((PX,), jnp.float32),
            pltpu.VMEM((PY,), jnp.float32),
            pltpu.SemaphoreType.DMA,
            pltpu.SemaphoreType.DMA,
            pltpu.SemaphoreType.DMA,
            pltpu.SemaphoreType.DMA,
        ],
    )(_sc_hist_body)


def _aligned_shift(hist, D, P):
    n = float(S * D)
    dP = lax.broadcasted_iota(jnp.int32, (B, S, P), 2)
    h = jnp.where(dP < D, hist, 0.0)
    sm = jnp.sum(h, axis=(1, 2))
    sq = jnp.sum(h * h, axis=(1, 2))
    mean = sm / n
    var = (sq - sm * sm / n) / (n - 1.0)
    clamp = mean + 3.0 * jnp.sqrt(var)
    rows = h[:, SIDX - 2:SIDX + 3, :]
    rows = jnp.clip(rows, 0.0, clamp[:, None, None])
    rowsum = jnp.sum(rows, axis=1)
    di = lax.broadcasted_iota(jnp.int32, (B, P), 1)
    w = 5.0 * di.astype(jnp.float32)
    w = jnp.where(di == 0, 3.0, w)
    w = jnp.where(di == 1, 6.0, w)
    w = jnp.where(di == D - 2, float(4 * D - 10), w)
    w = jnp.where(di == D - 1, float(3 * D - 6), w)
    w = jnp.where(di >= D, 0.0, w)
    meanD = jnp.sum(rowsum * w, axis=1) * (0.04 / float(SEG))
    return jnp.round(meanD - float(D // 2))


def _post_body(hx_ref, hy_ref, xyt_ref, o_ref):
    shx = _aligned_shift(hx_ref[...], W, PX)
    shy = _aligned_shift(hy_ref[...], H, PY)
    xv = jnp.clip(xyt_ref[0] - shx[:, None], 0.0, float(W - 1)) * (1.0 / W)
    yv = jnp.clip(xyt_ref[1] - shy[:, None], 0.0, float(H - 1)) * (1.0 / H)
    t = xyt_ref[2]
    tv = t / jnp.max(t, axis=1, keepdims=True)
    o_ref[...] = jnp.stack([xv, yv, tv], axis=1)


_tc_post = pl.pallas_call(
    _post_body,
    out_shape=jax.ShapeDtypeStruct((B, 3, 2048), jnp.float32),
)


@jax.jit
def kernel(events):
    xi = events[:, :, 0].reshape(B * N).astype(jnp.int32)
    yi = events[:, :, 1].reshape(B * N).astype(jnp.int32)
    code = (yi << 9) | xi
    hx, hy = _build_sc_hist()(code)
    first = SEG * SIDX
    sl = lax.slice(events, (0, first, 0), (B, first + 2048, 3))
    xyt = jnp.moveaxis(sl, 2, 0)
    return _tc_post(hx, hy, xyt)

# --- scband reference (transcript-rebuilt; emitter-appended) ---
"""Pipeline reference for scband-quantization-layer-50594714747410 (READ-ONLY COPY).

The authoritative reference and input builder live on the scoring server;
editing this copy changes nothing except your own understanding.
"""

import jax, jax.numpy as jnp
import numpy as np

B, N = 8, 480000
H, W = 260, 346
S = 48
SIDX = 3


def setup_inputs(seed: int = 0) -> dict:
    key = jax.random.key(seed)
    k1, k2, k3, k4 = jax.random.split(key, 4)
    x = jax.random.randint(k1, (B, N), 0, W).astype(jnp.float32)
    y = jax.random.randint(k2, (B, N), 0, H).astype(jnp.float32)
    t = jnp.sort(jax.random.uniform(k3, (B, N), minval=0.1, maxval=1.0), axis=1)
    p = jax.random.randint(k4, (B, N), 0, 2).astype(jnp.float32)
    b = jnp.broadcast_to(jnp.arange(B, dtype=jnp.float32)[:, None], (B, N))
    events = jnp.stack([x, y, t, p, b], axis=-1)
    return {"events": events}


def _process(along, D, Bv, segLenF):
    mean = along.mean(axis=-1)
    std = jnp.std(along, axis=-1, ddof=1)
    clampVal = mean + 3.0 * std
    along = jnp.clip(along, 0.0, clampVal[:, None])
    along = along.reshape(1, Bv, S, D)
    kern = jnp.full((Bv, 1, 5, 5), 0.04, dtype=jnp.float32)
    along = jax.lax.conv_general_dilated(
        along, kern, window_strides=(1, 1), padding=((2, 2), (2, 2)),
        dimension_numbers=("NCHW", "OIHW", "NCHW"), feature_group_count=Bv)
    along = along[0]  # [B, S, D]
    alongDim = jnp.arange(D, dtype=jnp.float32)
    meanD = jnp.einsum("bsd,d->bs", along, alongDim) / segLenF[:, None]
    start = meanD[:, SIDX:SIDX + 1]
    dis_to_center = (D // 2) - start
    aligned = meanD - start - dis_to_center
    aligned = jnp.round(aligned).astype(jnp.int32)
    return aligned, meanD


def reference(events):
    Bv, Nv, _ = events.shape
    segmentLen = Nv // S
    resultLen = S * segmentLen
    x = events[:, :, 0]
    y = events[:, :, 1]
    t = events[:, :, 2]
    chunks = jnp.repeat(jnp.arange(S, dtype=jnp.int32), segmentLen)
    xi = x[:, :resultLen].astype(jnp.int32)
    yi = y[:, :resultLen].astype(jnp.int32)
    ix = xi + W * chunks[None, :]
    iy = yi + H * chunks[None, :]
    brange = jnp.arange(Bv)[:, None]
    alongX = jnp.zeros((Bv, S * W), jnp.int32).at[brange, ix].add(1).astype(jnp.float32)
    alongY = jnp.zeros((Bv, S * H), jnp.int32).at[brange, iy].add(1).astype(jnp.float32)
    segLenF = jnp.full((Bv,), float(segmentLen), jnp.float32)
    alignedX, meanX = _process(alongX, W, Bv, segLenF)
    alignedY, meanY = _process(alongY, H, Bv, segLenF)
    usable = segmentLen * S
    shiftedX = jnp.repeat(alignedX, segmentLen, axis=1)
    shiftedY = jnp.repeat(alignedY, segmentLen, axis=1)
    xs = jnp.clip(x[:, :usable].astype(jnp.int32) - shiftedX, 0, W - 1)
    ys = jnp.clip(y[:, :usable].astype(jnp.int32) - shiftedY, 0, H - 1)
    firstPix = segmentLen * SIDX
    x_vox = xs[:, firstPix:firstPix + 2048].astype(jnp.float32) / W
    y_vox = ys[:, firstPix:firstPix + 2048].astype(jnp.float32) / H
    t_sl = t[:, firstPix:firstPix + 2048]
    t_vox = t_sl / t_sl.max(axis=-1, keepdims=True)
    vox = jnp.stack([x_vox, y_vox, t_vox], axis=1)  # [B, 3, 2048]
    return vox

if __name__ == "__main__":
    import jax
    _d = setup_inputs()
    print(jax.jit(kernel)(*tuple(_d.values())))

</pallas_src>

<mosaic_0001>
#map = affine_map<(d0, d1) -> (0)>
#map1 = affine_map<(d0, d1) -> (0, 0, 0)>
module attributes {stable_mosaic.version = 14 : i64} {
  func.func @_sc_hist_body(%arg0: i32, %arg1: i32, %arg2: memref<3840000xi32, #tpu.memory_space<hbm>>, %arg3: memref<8x48x352xf32, #tpu.memory_space<hbm>>, %arg4: memref<8x48x272xf32, #tpu.memory_space<hbm>>, %arg5: memref<10000xi32, #tpu.memory_space<vmem>>, %arg6: memref<10000xi32, #tpu.memory_space<vmem>>, %arg7: memref<352xf32, #tpu.memory_space<vmem>>, %arg8: memref<272xf32, #tpu.memory_space<vmem>>, %arg9: memref<352xf32, #tpu.memory_space<vmem>>, %arg10: memref<272xf32, #tpu.memory_space<vmem>>, %arg11: memref<!tpu.dma_semaphore, #tpu.memory_space<semaphore_mem>>, %arg12: memref<!tpu.dma_semaphore, #tpu.memory_space<semaphore_mem>>, %arg13: memref<!tpu.dma_semaphore, #tpu.memory_space<semaphore_mem>>, %arg14: memref<!tpu.dma_semaphore, #tpu.memory_space<semaphore_mem>>) attributes {dimension_semantics = [#tpu.dimension_semantics<core_parallel>, #tpu.dimension_semantics<subcore_parallel>], iteration_bounds = array<i64: 2, 16>, scalar_prefetch = 0 : i64, scratch_operands = 10 : i64, tpu.core_type = #tpu.core_type<sc_vector_subcore>, window_params = [{transform_indices = #map}, {transform_indices = #map1}, {transform_indices = #map1}]} {
    %mul3A = arith.constant 2 : i32
    %mul3A_0 = arith.muli %arg1, %mul3A : i32
    %add3A = arith.addi %mul3A_0, %arg0 : i32
    %broadcast_in_dim3A = arith.constant 1.000000e+00 : f32
    %broadcast_in_dim3A_1 = vector.broadcast %broadcast_in_dim3A : f32 to vector<16xf32>
    %broadcast_in_dim3A_2 = arith.constant 0.000000e+00 : f32
    %broadcast_in_dim3A_3 = vector.broadcast %broadcast_in_dim3A_2 : f32 to vector<16xf32>
    %broadcast_in_dim3A_4 = arith.constant 511 : i32
    %broadcast_in_dim3A_5 = vector.broadcast %broadcast_in_dim3A_4 : i32 to vector<16xi32>
    %mul3A_6 = arith.constant 12 : i32
    %mul3A_7 = arith.muli %add3A, %mul3A_6 : i32
    %add3A_8 = arith.constant 0 : i32
    %add3A_9 = arith.addi %mul3A_7, %add3A_8 : i32
    %jit3A = arith.constant 48 : i32
    %div3A = arith.divsi %add3A_9, %jit3A : i32
    %sign3A = arith.constant 0 : i32
    %sign3A_10 = arith.cmpi sgt, %add3A_9, %sign3A : i32
    %sign3A_11 = arith.extui %sign3A_10 : i1 to i32
    %sign3A_12 = arith.constant 0 : i32
    %sign3A_13 = arith.cmpi slt, %add3A_9, %sign3A_12 : i32
    %sign3A_14 = arith.extui %sign3A_13 : i1 to i32
    %sign3A_15 = arith.subi %sign3A_11, %sign3A_14 : i32
    %sign3A_16 = arith.constant 0 : i32
    %sign3A_17 = arith.cmpi sgt, %jit3A, %sign3A_16 : i32
    %sign3A_18 = arith.extui %sign3A_17 : i1 to i32
    %sign3A_19 = arith.constant 0 : i32
    %sign3A_20 = arith.cmpi slt, %jit3A, %sign3A_19 : i32
    %sign3A_21 = arith.extui %sign3A_20 : i1 to i32
    %sign3A_22 = arith.subi %sign3A_18, %sign3A_21 : i32
    %ne3A = arith.cmpi ne, %sign3A_15, %sign3A_22 : i32
    %rem3A = arith.remsi %add3A_9, %jit3A : i32
    %ne3A_23 = arith.constant 0 : i32
    %ne3A_24 = arith.cmpi ne, %rem3A, %ne3A_23 : i32
    %and3A = arith.andi %ne3A, %ne3A_24 : i1
    %sub3A = arith.constant 1 : i32
    %sub3A_25 = arith.subi %div3A, %sub3A : i32
    %select_n3A = arith.select %and3A, %sub3A_25, %div3A : i32
    %jit3A_26 = arith.constant 48 : i32
    %eq3A = arith.constant 0 : i32
    %eq3A_27 = arith.cmpi eq, %jit3A_26, %eq3A : i32
    %jit3A_28 = arith.constant 1 : i32
    %select_n3A_29 = arith.select %eq3A_27, %jit3A_28, %jit3A_26 : i32
    %rem3A_30 = arith.remsi %add3A_9, %select_n3A_29 : i32
    %ne3A_31 = arith.constant 0 : i32
    %ne3A_32 = arith.cmpi ne, %rem3A_30, %ne3A_31 : i32
    %lt3A = arith.constant 0 : i32
    %lt3A_33 = arith.cmpi slt, %rem3A_30, %lt3A : i32
    %lt3A_34 = arith.constant 0 : i32
    %lt3A_35 = arith.cmpi slt, %select_n3A_29, %lt3A_34 : i32
    %ne3A_36 = arith.xori %lt3A_33, %lt3A_35 : i1
    %and3A_37 = arith.andi %ne3A_36, %ne3A_32 : i1
    %add3A_38 = arith.addi %rem3A_30, %select_n3A_29 : i32
    %select_n3A_39 = arith.select %and3A_37, %add3A_38, %rem3A_30 : i32
    %mul3A_40 = arith.constant 480000 : i32
    %mul3A_41 = arith.muli %select_n3A, %mul3A_40 : i32
    %mul3A_42 = arith.constant 10000 : i32
    %mul3A_43 = arith.muli %select_n3A_39, %mul3A_42 : i32
    %add3A_44 = arith.addi %mul3A_41, %mul3A_43 : i32
    %dma_start3A = tpu.memref_slice %arg2[%add3A_44] : memref<3840000xi32, #tpu.memory_space<hbm>> -> memref<10000xi32, #tpu.memory_space<hbm>>
    %dma_start3A_45 = tpu.memref_slice %arg2[%add3A_44] : memref<3840000xi32, #tpu.memory_space<hbm>> -> memref<10000xi32, #tpu.memory_space<hbm>>
    tpu.enqueue_dma source(%dma_start3A_45 : memref<10000xi32, #tpu.memory_space<hbm>>) target(%arg5 : memref<10000xi32, #tpu.memory_space<vmem>>) target_semaphore(%arg11 : memref<!tpu.dma_semaphore, #tpu.memory_space<semaphore_mem>>)
    %scan3A = arith.constant 0 : i32
    %scan3A_46 = arith.constant 0 : i32
    %scan3A_47 = arith.constant 6 : i32
    %scan3A_48 = arith.addi %scan3A_46, %scan3A_47 : i32
    %scan3A_49 = arith.constant 1 : i32
    scf.for %scan3A_82 = %scan3A_46 to %scan3A_48 step %scan3A_49  : i32 {
      %mul3A_83 = arith.constant 2 : i32
      %mul3A_84 = arith.muli %scan3A_82, %mul3A_83 : i32
      %dma_wait3A_85 = arith.constant 0 : i32
      %dma_wait3A_86 = tpu.memref_slice %arg2[%dma_wait3A_85] : memref<3840000xi32, #tpu.memory_space<hbm>> -> memref<10000xi32, #tpu.memory_space<hbm>>
      %dma_wait3A_87 = arith.constant 0 : i32
      %dma_wait3A_88 = tpu.memref_slice %arg2[%dma_wait3A_87] : memref<3840000xi32, #tpu.memory_space<hbm>> -> memref<10000xi32, #tpu.memory_space<hbm>>
      tpu.wait_dma2 semaphore(%arg11 : memref<!tpu.dma_semaphore, #tpu.memory_space<semaphore_mem>>) src(%dma_wait3A_88 : memref<10000xi32, #tpu.memory_space<hbm>>) dst(%arg5 : memref<10000xi32, #tpu.memory_space<vmem>>)
      %add3A_89 = arith.constant 1 : i32
      %add3A_90 = arith.addi %mul3A_84, %add3A_89 : i32
      %mul3A_91 = arith.constant 12 : i32
      %mul3A_92 = arith.muli %add3A, %mul3A_91 : i32
      %add3A_93 = arith.addi %mul3A_92, %add3A_90 : i32
      %jit3A_94 = arith.constant 48 : i32
      %div3A_95 = arith.divsi %add3A_93, %jit3A_94 : i32
      %sign3A_96 = arith.constant 0 : i32
      %sign3A_97 = arith.cmpi sgt, %add3A_93, %sign3A_96 : i32
      %sign3A_98 = arith.extui %sign3A_97 : i1 to i32
      %sign3A_99 = arith.constant 0 : i32
      %sign3A_100 = arith.cmpi slt, %add3A_93, %sign3A_99 : i32
      %sign3A_101 = arith.extui %sign3A_100 : i1 to i32
      %sign3A_102 = arith.subi %sign3A_98, %sign3A_101 : i32
      %sign3A_103 = arith.constant 0 : i32
      %sign3A_104 = arith.cmpi sgt, %jit3A_94, %sign3A_103 : i32
      %sign3A_105 = arith.extui %sign3A_104 : i1 to i32
      %sign3A_106 = arith.constant 0 : i32
      %sign3A_107 = arith.cmpi slt, %jit3A_94, %sign3A_106 : i32
      %sign3A_108 = arith.extui %sign3A_107 : i1 to i32
      %sign3A_109 = arith.subi %sign3A_105, %sign3A_108 : i32
      %ne3A_110 = arith.cmpi ne, %sign3A_102, %sign3A_109 : i32
      %rem3A_111 = arith.remsi %add3A_93, %jit3A_94 : i32
      %ne3A_112 = arith.constant 0 : i32
      %ne3A_113 = arith.cmpi ne, %rem3A_111, %ne3A_112 : i32
      %and3A_114 = arith.andi %ne3A_110, %ne3A_113 : i1
      %sub3A_115 = arith.constant 1 : i32
      %sub3A_116 = arith.subi %div3A_95, %sub3A_115 : i32
      %select_n3A_117 = arith.select %and3A_114, %sub3A_116, %div3A_95 : i32
      %jit3A_118 = arith.constant 48 : i32
      %eq3A_119 = arith.constant 0 : i32
      %eq3A_120 = arith.cmpi eq, %jit3A_118, %eq3A_119 : i32
      %jit3A_121 = arith.constant 1 : i32
      %select_n3A_122 = arith.select %eq3A_120, %jit3A_121, %jit3A_118 : i32
      %rem3A_123 = arith.remsi %add3A_93, %select_n3A_122 : i32
      %ne3A_124 = arith.constant 0 : i32
      %ne3A_125 = arith.cmpi ne, %rem3A_123, %ne3A_124 : i32
      %lt3A_126 = arith.constant 0 : i32
      %lt3A_127 = arith.cmpi slt, %rem3A_123, %lt3A_126 : i32
      %lt3A_128 = arith.constant 0 : i32
      %lt3A_129 = arith.cmpi slt, %select_n3A_122, %lt3A_128 : i32
      %ne3A_130 = arith.xori %lt3A_127, %lt3A_129 : i1
      %and3A_131 = arith.andi %ne3A_130, %ne3A_125 : i1
      %add3A_132 = arith.addi %rem3A_123, %select_n3A_122 : i32
      %select_n3A_133 = arith.select %and3A_131, %add3A_132, %rem3A_123 : i32
      %mul3A_134 = arith.constant 480000 : i32
      %mul3A_135 = arith.muli %select_n3A_117, %mul3A_134 : i32
      %mul3A_136 = arith.constant 10000 : i32
      %mul3A_137 = arith.muli %select_n3A_133, %mul3A_136 : i32
      %add3A_138 = arith.addi %mul3A_135, %mul3A_137 : i32
      %dma_start3A_139 = tpu.memref_slice %arg2[%add3A_138] : memref<3840000xi32, #tpu.memory_space<hbm>> -> memref<10000xi32, #tpu.memory_space<hbm>>
      %dma_start3A_140 = tpu.memref_slice %arg2[%add3A_138] : memref<3840000xi32, #tpu.memory_space<hbm>> -> memref<10000xi32, #tpu.memory_space<hbm>>
      tpu.enqueue_dma source(%dma_start3A_140 : memref<10000xi32, #tpu.memory_space<hbm>>) target(%arg6 : memref<10000xi32, #tpu.memory_space<vmem>>) target_semaphore(%arg12 : memref<!tpu.dma_semaphore, #tpu.memory_space<semaphore_mem>>)
      %mul3A_141 = arith.constant 12 : i32
      %mul3A_142 = arith.muli %add3A, %mul3A_141 : i32
      %add3A_143 = arith.addi %mul3A_142, %mul3A_84 : i32
      %jit3A_144 = arith.constant 48 : i32
      %div3A_145 = arith.divsi %add3A_143, %jit3A_144 : i32
      %sign3A_146 = arith.constant 0 : i32
      %sign3A_147 = arith.cmpi sgt, %add3A_143, %sign3A_146 : i32
      %sign3A_148 = arith.extui %sign3A_147 : i1 to i32
      %sign3A_149 = arith.constant 0 : i32
      %sign3A_150 = arith.cmpi slt, %add3A_143, %sign3A_149 : i32
      %sign3A_151 = arith.extui %sign3A_150 : i1 to i32
      %sign3A_152 = arith.subi %sign3A_148, %sign3A_151 : i32
      %sign3A_153 = arith.constant 0 : i32
      %sign3A_154 = arith.cmpi sgt, %jit3A_144, %sign3A_153 : i32
      %sign3A_155 = arith.extui %sign3A_154 : i1 to i32
      %sign3A_156 = arith.constant 0 : i32
      %sign3A_157 = arith.cmpi slt, %jit3A_144, %sign3A_156 : i32
      %sign3A_158 = arith.extui %sign3A_157 : i1 to i32
      %sign3A_159 = arith.subi %sign3A_155, %sign3A_158 : i32
      %ne3A_160 = arith.cmpi ne, %sign3A_152, %sign3A_159 : i32
      %rem3A_161 = arith.remsi %add3A_143, %jit3A_144 : i32
      %ne3A_162 = arith.constant 0 : i32
      %ne3A_163 = arith.cmpi ne, %rem3A_161, %ne3A_162 : i32
      %and3A_164 = arith.andi %ne3A_160, %ne3A_163 : i1
      %sub3A_165 = arith.constant 1 : i32
      %sub3A_166 = arith.subi %div3A_145, %sub3A_165 : i32
      %select_n3A_167 = arith.select %and3A_164, %sub3A_166, %div3A_145 : i32
      %jit3A_168 = arith.constant 48 : i32
      %eq3A_169 = arith.constant 0 : i32
      %eq3A_170 = arith.cmpi eq, %jit3A_168, %eq3A_169 : i32
      %jit3A_171 = arith.constant 1 : i32
      %select_n3A_172 = arith.select %eq3A_170, %jit3A_171, %jit3A_168 : i32
      %rem3A_173 = arith.remsi %add3A_143, %select_n3A_172 : i32
      %ne3A_174 = arith.constant 0 : i32
      %ne3A_175 = arith.cmpi ne, %rem3A_173, %ne3A_174 : i32
      %lt3A_176 = arith.constant 0 : i32
      %lt3A_177 = arith.cmpi slt, %rem3A_173, %lt3A_176 : i32
      %lt3A_178 = arith.constant 0 : i32
      %lt3A_179 = arith.cmpi slt, %select_n3A_172, %lt3A_178 : i32
      %ne3A_180 = arith.xori %lt3A_177, %lt3A_179 : i1
      %and3A_181 = arith.andi %ne3A_180, %ne3A_175 : i1
      %add3A_182 = arith.addi %rem3A_173, %select_n3A_172 : i32
      %select_n3A_183 = arith.select %and3A_181, %add3A_182, %rem3A_173 : i32
      %mul3A_184 = arith.constant 480000 : i32
      %mul3A_185 = arith.muli %select_n3A_167, %mul3A_184 : i32
      %mul3A_186 = arith.constant 10000 : i32
      %mul3A_187 = arith.muli %select_n3A_183, %mul3A_186 : i32
      %add3A_188 = arith.addi %mul3A_185, %mul3A_187 : i32
      %ge3A = arith.constant 2 : i32
      %ge3A_189 = arith.cmpi sge, %mul3A_84, %ge3A : i32
      %convert_element_type3A = arith.extui %ge3A_189 : i1 to i32
      %cond3A = arith.constant 0 : i32
      %cond3A_190 = arith.cmpi ne, %convert_element_type3A, %cond3A : i32
      scf.if %cond3A_190 {
        %dma_wait3A_441 = arith.constant 0 : i32
        %dma_wait3A_442 = arith.constant 0 : i32
        %dma_wait3A_443 = arith.constant 0 : i32
        %dma_wait3A_444 = tpu.memref_slice %arg3[%dma_wait3A_441, %dma_wait3A_442, %dma_wait3A_443] : memref<8x48x352xf32, #tpu.memory_space<hbm>> -> memref<1x1x352xf32, #tpu.memory_space<hbm>>
        %dma_wait3A_445 = tpu.memref_squeeze %dma_wait3A_444 : memref<1x1x352xf32, #tpu.memory_space<hbm>> -> memref<352xf32, #tpu.memory_space<hbm>>
        %dma_wait3A_446 = arith.constant 0 : i32
        %dma_wait3A_447 = tpu.memref_slice %arg3[%dma_wait3A_441, %dma_wait3A_442, %dma_wait3A_446] : memref<8x48x352xf32, #tpu.memory_space<hbm>> -> memref<1x1x352xf32, #tpu.memory_space<hbm>>
        %dma_wait3A_448 = tpu.memref_squeeze %dma_wait3A_447 : memref<1x1x352xf32, #tpu.memory_space<hbm>> -> memref<352xf32, #tpu.memory_space<hbm>>
        tpu.wait_dma2 semaphore(%arg13 : memref<!tpu.dma_semaphore, #tpu.memory_space<semaphore_mem>>) src(%arg7 : memref<352xf32, #tpu.memory_space<vmem>>) dst(%dma_wait3A_448 : memref<352xf32, #tpu.memory_space<hbm>>)
        %dma_wait3A_449 = arith.constant 0 : i32
        %dma_wait3A_450 = arith.constant 0 : i32
        %dma_wait3A_451 = arith.constant 0 : i32
        %dma_wait3A_452 = tpu.memref_slice %arg4[%dma_wait3A_449, %dma_wait3A_450, %dma_wait3A_451] : memref<8x48x272xf32, #tpu.memory_space<hbm>> -> memref<1x1x272xf32, #tpu.memory_space<hbm>>
        %dma_wait3A_453 = tpu.memref_squeeze %dma_wait3A_452 : memref<1x1x272xf32, #tpu.memory_space<hbm>> -> memref<272xf32, #tpu.memory_space<hbm>>
        %dma_wait3A_454 = arith.constant 0 : i32
        %dma_wait3A_455 = tpu.memref_slice %arg4[%dma_wait3A_449, %dma_wait3A_450, %dma_wait3A_454] : memref<8x48x272xf32, #tpu.memory_space<hbm>> -> memref<1x1x272xf32, #tpu.memory_space<hbm>>
        %dma_wait3A_456 = tpu.memref_squeeze %dma_wait3A_455 : memref<1x1x272xf32, #tpu.memory_space<hbm>> -> memref<272xf32, #tpu.memory_space<hbm>>
        tpu.wait_dma2 semaphore(%arg13 : memref<!tpu.dma_semaphore, #tpu.memory_space<semaphore_mem>>) src(%arg8 : memref<272xf32, #tpu.memory_space<vmem>>) dst(%dma_wait3A_456 : memref<272xf32, #tpu.memory_space<hbm>>)
      } else {
      }
      %swap3A = arith.constant 0 : index
      %swap3A_191 = tpu.vector_load %arg7[%swap3A] {strides = array<i32>} : memref<352xf32, #tpu.memory_space<vmem>>, vector<16xf32>,
      tpu.vector_store %arg7[%swap3A], %broadcast_in_dim3A_3 {strides = array<i32>} : memref<352xf32, #tpu.memory_space<vmem>>, vector<16xf32>,
      %swap3A_192 = arith.constant 16 : index
      %swap3A_193 = tpu.vector_load %arg7[%swap3A_192] {strides = array<i32>} : memref<352xf32, #tpu.memory_space<vmem>>, vector<16xf32>,
      tpu.vector_store %arg7[%swap3A_192], %broadcast_in_dim3A_3 {strides = array<i32>} : memref<352xf32, #tpu.memory_space<vmem>>, vector<16xf32>,
      %swap3A_194 = arith.constant 32 : index
      %swap3A_195 = tpu.vector_load %arg7[%swap3A_194] {strides = array<i32>} : memref<352xf32, #tpu.memory_space<vmem>>, vector<16xf32>,
      tpu.vector_store %arg7[%swap3A_194], %broadcast_in_dim3A_3 {strides = array<i32>} : memref<352xf32, #tpu.memory_space<vmem>>, vector<16xf32>,
      %swap3A_196 = arith.constant 48 : index
      %swap3A_197 = tpu.vector_load %arg7[%swap3A_196] {strides = array<i32>} : memref<352xf32, #tpu.memory_space<vmem>>, vector<16xf32>,
      tpu.vector_store %arg7[%swap3A_196], %broadcast_in_dim3A_3 {strides = array<i32>} : memref<352xf32, #tpu.memory_space<vmem>>, vector<16xf32>,
      %swap3A_198 = arith.constant 64 : index
      %swap3A_199 = tpu.vector_load %arg7[%swap3A_198] {strides = array<i32>} : memref<352xf32, #tpu.memory_space<vmem>>, vector<16xf32>,
      tpu.vector_store %arg7[%swap3A_198], %broadcast_in_dim3A_3 {strides = array<i32>} : memref<352xf32, #tpu.memory_space<vmem>>, vector<16xf32>,
      %swap3A_200 = arith.constant 80 : index
      %swap3A_201 = tpu.vector_load %arg7[%swap3A_200] {strides = array<i32>} : memref<352xf32, #tpu.memory_space<vmem>>, vector<16xf32>,
      tpu.vector_store %arg7[%swap3A_200], %broadcast_in_dim3A_3 {strides = array<i32>} : memref<352xf32, #tpu.memory_space<vmem>>, vector<16xf32>,
      %swap3A_202 = arith.constant 96 : index
      %swap3A_203 = tpu.vector_load %arg7[%swap3A_202] {strides = array<i32>} : memref<352xf32, #tpu.memory_space<vmem>>, vector<16xf32>,
      tpu.vector_store %arg7[%swap3A_202], %broadcast_in_dim3A_3 {strides = array<i32>} : memref<352xf32, #tpu.memory_space<vmem>>, vector<16xf32>,
      %swap3A_204 = arith.constant 112 : index
      %swap3A_205 = tpu.vector_load %arg7[%swap3A_204] {strides = array<i32>} : memref<352xf32, #tpu.memory_space<vmem>>, vector<16xf32>,
      tpu.vector_store %arg7[%swap3A_204], %broadcast_in_dim3A_3 {strides = array<i32>} : memref<352xf32, #tpu.memory_space<vmem>>, vector<16xf32>,
      %swap3A_206 = arith.constant 128 : index
      %swap3A_207 = tpu.vector_load %arg7[%swap3A_206] {strides = array<i32>} : memref<352xf32, #tpu.memory_space<vmem>>, vector<16xf32>,
      tpu.vector_store %arg7[%swap3A_206], %broadcast_in_dim3A_3 {strides = array<i32>} : memref<352xf32, #tpu.memory_space<vmem>>, vector<16xf32>,
      %swap3A_208 = arith.constant 144 : index
      %swap3A_209 = tpu.vector_load %arg7[%swap3A_208] {strides = array<i32>} : memref<352xf32, #tpu.memory_space<vmem>>, vector<16xf32>,
      tpu.vector_store %arg7[%swap3A_208], %broadcast_in_dim3A_3 {strides = array<i32>} : memref<352xf32, #tpu.memory_space<vmem>>, vector<16xf32>,
      %swap3A_210 = arith.constant 160 : index
      %swap3A_211 = tpu.vector_load %arg7[%swap3A_210] {strides = array<i32>} : memref<352xf32, #tpu.memory_space<vmem>>, vector<16xf32>,
      tpu.vector_store %arg7[%swap3A_210], %broadcast_in_dim3A_3 {strides = array<i32>} : memref<352xf32, #tpu.memory_space<vmem>>, vector<16xf32>,
      %swap3A_212 = arith.constant 176 : index
      %swap3A_213 = tpu.vector_load %arg7[%swap3A_212] {strides = array<i32>} : memref<352xf32, #tpu.memory_space<vmem>>, vector<16xf32>,
      tpu.vector_store %arg7[%swap3A_212], %broadcast_in_dim3A_3 {strides = array<i32>} : memref<352xf32, #tpu.memory_space<vmem>>, vector<16xf32>,
      %swap3A_214 = arith.constant 192 : index
      %swap3A_215 = tpu.vector_load %arg7[%swap3A_214] {strides = array<i32>} : memref<352xf32, #tpu.memory_space<vmem>>, vector<16xf32>,
      tpu.vector_store %arg7[%swap3A_214], %broadcast_in_dim3A_3 {strides = array<i32>} : memref<352xf32, #tpu.memory_space<vmem>>, vector<16xf32>,
      %swap3A_216 = arith.constant 208 : index
      %swap3A_217 = tpu.vector_load %arg7[%swap3A_216] {strides = array<i32>} : memref<352xf32, #tpu.memory_space<vmem>>, vector<16xf32>,
      tpu.vector_store %arg7[%swap3A_216], %broadcast_in_dim3A_3 {strides = array<i32>} : memref<352xf32, #tpu.memory_space<vmem>>, vector<16xf32>,
      %swap3A_218 = arith.constant 224 : index
      %swap3A_219 = tpu.vector_load %arg7[%swap3A_218] {strides = array<i32>} : memref<352xf32, #tpu.memory_space<vmem>>, vector<16xf32>,
      tpu.vector_store %arg7[%swap3A_218], %broadcast_in_dim3A_3 {strides = array<i32>} : memref<352xf32, #tpu.memory_space<vmem>>, vector<16xf32>,
      %swap3A_220 = arith.constant 240 : index
      %swap3A_221 = tpu.vector_load %arg7[%swap3A_220] {strides = array<i32>} : memref<352xf32, #tpu.memory_space<vmem>>, vector<16xf32>,
      tpu.vector_store %arg7[%swap3A_220], %broadcast_in_dim3A_3 {strides = array<i32>} : memref<352xf32, #tpu.memory_space<vmem>>, vector<16xf32>,
      %swap3A_222 = arith.constant 256 : index
      %swap3A_223 = tpu.vector_load %arg7[%swap3A_222] {strides = array<i32>} : memref<352xf32, #tpu.memory_space<vmem>>, vector<16xf32>,
      tpu.vector_store %arg7[%swap3A_222], %broadcast_in_dim3A_3 {strides = array<i32>} : memref<352xf32, #tpu.memory_space<vmem>>, vector<16xf32>,
      %swap3A_224 = arith.constant 272 : index
      %swap3A_225 = tpu.vector_load %arg7[%swap3A_224] {strides = array<i32>} : memref<352xf32, #tpu.memory_space<vmem>>, vector<16xf32>,
      tpu.vector_store %arg7[%swap3A_224], %broadcast_in_dim3A_3 {strides = array<i32>} : memref<352xf32, #tpu.memory_space<vmem>>, vector<16xf32>,
      %swap3A_226 = arith.constant 288 : index
      %swap3A_227 = tpu.vector_load %arg7[%swap3A_226] {strides = array<i32>} : memref<352xf32, #tpu.memory_space<vmem>>, vector<16xf32>,
      tpu.vector_store %arg7[%swap3A_226], %broadcast_in_dim3A_3 {strides = array<i32>} : memref<352xf32, #tpu.memory_space<vmem>>, vector<16xf32>,
      %swap3A_228 = arith.constant 304 : index
      %swap3A_229 = tpu.vector_load %arg7[%swap3A_228] {strides = array<i32>} : memref<352xf32, #tpu.memory_space<vmem>>, vector<16xf32>,
      tpu.vector_store %arg7[%swap3A_228], %broadcast_in_dim3A_3 {strides = array<i32>} : memref<352xf32, #tpu.memory_space<vmem>>, vector<16xf32>,
      %swap3A_230 = arith.constant 320 : index
      %swap3A_231 = tpu.vector_load %arg7[%swap3A_230] {strides = array<i32>} : memref<352xf32, #tpu.memory_space<vmem>>, vector<16xf32>,
      tpu.vector_store %arg7[%swap3A_230], %broadcast_in_dim3A_3 {strides = array<i32>} : memref<352xf32, #tpu.memory_space<vmem>>, vector<16xf32>,
      %swap3A_232 = arith.constant 336 : index
      %swap3A_233 = tpu.vector_load %arg7[%swap3A_232] {strides = array<i32>} : memref<352xf32, #tpu.memory_space<vmem>>, vector<16xf32>,
      tpu.vector_store %arg7[%swap3A_232], %broadcast_in_dim3A_3 {strides = array<i32>} : memref<352xf32, #tpu.memory_space<vmem>>, vector<16xf32>,
      %swap3A_234 = arith.constant 0 : index
      %swap3A_235 = tpu.vector_load %arg8[%swap3A_234] {strides = array<i32>} : memref<272xf32, #tpu.memory_space<vmem>>, vector<16xf32>,
      tpu.vector_store %arg8[%swap3A_234], %broadcast_in_dim3A_3 {strides = array<i32>} : memref<272xf32, #tpu.memory_space<vmem>>, vector<16xf32>,
      %swap3A_236 = arith.constant 16 : index
      %swap3A_237 = tpu.vector_load %arg8[%swap3A_236] {strides = array<i32>} : memref<272xf32, #tpu.memory_space<vmem>>, vector<16xf32>,
      tpu.vector_store %arg8[%swap3A_236], %broadcast_in_dim3A_3 {strides = array<i32>} : memref<272xf32, #tpu.memory_space<vmem>>, vector<16xf32>,
      %swap3A_238 = arith.constant 32 : index
      %swap3A_239 = tpu.vector_load %arg8[%swap3A_238] {strides = array<i32>} : memref<272xf32, #tpu.memory_space<vmem>>, vector<16xf32>,
      tpu.vector_store %arg8[%swap3A_238], %broadcast_in_dim3A_3 {strides = array<i32>} : memref<272xf32, #tpu.memory_space<vmem>>, vector<16xf32>,
      %swap3A_240 = arith.constant 48 : index
      %swap3A_241 = tpu.vector_load %arg8[%swap3A_240] {strides = array<i32>} : memref<272xf32, #tpu.memory_space<vmem>>, vector<16xf32>,
      tpu.vector_store %arg8[%swap3A_240], %broadcast_in_dim3A_3 {strides = array<i32>} : memref<272xf32, #tpu.memory_space<vmem>>, vector<16xf32>,
      %swap3A_242 = arith.constant 64 : index
      %swap3A_243 = tpu.vector_load %arg8[%swap3A_242] {strides = array<i32>} : memref<272xf32, #tpu.memory_space<vmem>>, vector<16xf32>,
      tpu.vector_store %arg8[%swap3A_242], %broadcast_in_dim3A_3 {strides = array<i32>} : memref<272xf32, #tpu.memory_space<vmem>>, vector<16xf32>,
      %swap3A_244 = arith.constant 80 : index
      %swap3A_245 = tpu.vector_load %arg8[%swap3A_244] {strides = array<i32>} : memref<272xf32, #tpu.memory_space<vmem>>, vector<16xf32>,
      tpu.vector_store %arg8[%swap3A_244], %broadcast_in_dim3A_3 {strides = array<i32>} : memref<272xf32, #tpu.memory_space<vmem>>, vector<16xf32>,
      %swap3A_246 = arith.constant 96 : index
      %swap3A_247 = tpu.vector_load %arg8[%swap3A_246] {strides = array<i32>} : memref<272xf32, #tpu.memory_space<vmem>>, vector<16xf32>,
      tpu.vector_store %arg8[%swap3A_246], %broadcast_in_dim3A_3 {strides = array<i32>} : memref<272xf32, #tpu.memory_space<vmem>>, vector<16xf32>,
      %swap3A_248 = arith.constant 112 : index
      %swap3A_249 = tpu.vector_load %arg8[%swap3A_248] {strides = array<i32>} : memref<272xf32, #tpu.memory_space<vmem>>, vector<16xf32>,
      tpu.vector_store %arg8[%swap3A_248], %broadcast_in_dim3A_3 {strides = array<i32>} : memref<272xf32, #tpu.memory_space<vmem>>, vector<16xf32>,
      %swap3A_250 = arith.constant 128 : index
      %swap3A_251 = tpu.vector_load %arg8[%swap3A_250] {strides = array<i32>} : memref<272xf32, #tpu.memory_space<vmem>>, vector<16xf32>,
      tpu.vector_store %arg8[%swap3A_250], %broadcast_in_dim3A_3 {strides = array<i32>} : memref<272xf32, #tpu.memory_space<vmem>>, vector<16xf32>,
      %swap3A_252 = arith.constant 144 : index
      %swap3A_253 = tpu.vector_load %arg8[%swap3A_252] {strides = array<i32>} : memref<272xf32, #tpu.memory_space<vmem>>, vector<16xf32>,
      tpu.vector_store %arg8[%swap3A_252], %broadcast_in_dim3A_3 {strides = array<i32>} : memref<272xf32, #tpu.memory_space<vmem>>, vector<16xf32>,
      %swap3A_254 = arith.constant 160 : index
      %swap3A_255 = tpu.vector_load %arg8[%swap3A_254] {strides = array<i32>} : memref<272xf32, #tpu.memory_space<vmem>>, vector<16xf32>,
      tpu.vector_store %arg8[%swap3A_254], %broadcast_in_dim3A_3 {strides = array<i32>} : memref<272xf32, #tpu.memory_space<vmem>>, vector<16xf32>,
      %swap3A_256 = arith.constant 176 : index
      %swap3A_257 = tpu.vector_load %arg8[%swap3A_256] {strides = array<i32>} : memref<272xf32, #tpu.memory_space<vmem>>, vector<16xf32>,
      tpu.vector_store %arg8[%swap3A_256], %broadcast_in_dim3A_3 {strides = array<i32>} : memref<272xf32, #tpu.memory_space<vmem>>, vector<16xf32>,
      %swap3A_258 = arith.constant 192 : index
      %swap3A_259 = tpu.vector_load %arg8[%swap3A_258] {strides = array<i32>} : memref<272xf32, #tpu.memory_space<vmem>>, vector<16xf32>,
      tpu.vector_store %arg8[%swap3A_258], %broadcast_in_dim3A_3 {strides = array<i32>} : memref<272xf32, #tpu.memory_space<vmem>>, vector<16xf32>,
      %swap3A_260 = arith.constant 208 : index
      %swap3A_261 = tpu.vector_load %arg8[%swap3A_260] {strides = array<i32>} : memref<272xf32, #tpu.memory_space<vmem>>, vector<16xf32>,
      tpu.vector_store %arg8[%swap3A_260], %broadcast_in_dim3A_3 {strides = array<i32>} : memref<272xf32, #tpu.memory_space<vmem>>, vector<16xf32>,
      %swap3A_262 = arith.constant 224 : index
      %swap3A_263 = tpu.vector_load %arg8[%swap3A_262] {strides = array<i32>} : memref<272xf32, #tpu.memory_space<vmem>>, vector<16xf32>,
      tpu.vector_store %arg8[%swap3A_262], %broadcast_in_dim3A_3 {strides = array<i32>} : memref<272xf32, #tpu.memory_space<vmem>>, vector<16xf32>,
      %swap3A_264 = arith.constant 240 : index
      %swap3A_265 = tpu.vector_load %arg8[%swap3A_264] {strides = array<i32>} : memref<272xf32, #tpu.memory_space<vmem>>, vector<16xf32>,
      tpu.vector_store %arg8[%swap3A_264], %broadcast_in_dim3A_3 {strides = array<i32>} : memref<272xf32, #tpu.memory_space<vmem>>, vector<16xf32>,
      %swap3A_266 = arith.constant 256 : index
      %swap3A_267 = tpu.vector_load %arg8[%swap3A_266] {strides = array<i32>} : memref<272xf32, #tpu.memory_space<vmem>>, vector<16xf32>,
      tpu.vector_store %arg8[%swap3A_266], %broadcast_in_dim3A_3 {strides = array<i32>} : memref<272xf32, #tpu.memory_space<vmem>>, vector<16xf32>,
      %parallel_loop3A = arith.constant 0 : i32
      %parallel_loop3A_268 = arith.constant 10000 : i32
      %parallel_loop3A_269 = arith.constant 16 : i32
      scf.for %parallel_loop3A_441 = %parallel_loop3A to %parallel_loop3A_268 step %parallel_loop3A_269  : i32 {
        %parallel_loop3A_442 = arith.index_cast %parallel_loop3A_441 : i32 to index
        %parallel_loop3A_443 = tpu.vector_load %arg5[%parallel_loop3A_442] {strides = array<i32>} : memref<10000xi32, #tpu.memory_space<vmem>>, vector<16xi32>,
        %parallel_loop3A_444 = arith.andi %parallel_loop3A_443, %broadcast_in_dim3A_5 : vector<16xi32>
        %parallel_loop3A_445 = arith.constant 9 : i32
        %parallel_loop3A_446 = vector.broadcast %parallel_loop3A_445 : i32 to vector<16xi32>
        %parallel_loop3A_447 = arith.shrui %parallel_loop3A_443, %parallel_loop3A_446 : vector<16xi32>
        tpu.vector_store_idx %arg7[%parallel_loop3A_444], %broadcast_in_dim3A_1 {add = true} : memref<352xf32, #tpu.memory_space<vmem>>[vector<16xi32>], vector<16xf32>,
        tpu.vector_store_idx %arg8[%parallel_loop3A_447], %broadcast_in_dim3A_1 {add = true} : memref<272xf32, #tpu.memory_space<vmem>>[vector<16xi32>], vector<16xf32>,
      } {sc.loop_unroll_factor = 10 : i64, sc.parallel_access}
      %dma_start3A_270 = arith.constant 0 : i32
      %dma_start3A_271 = tpu.memref_slice %arg3[%select_n3A_167, %select_n3A_183, %dma_start3A_270] : memref<8x48x352xf32, #tpu.memory_space<hbm>> -> memref<1x1x352xf32, #tpu.memory_space<hbm>>
      %dma_start3A_272 = tpu.memref_squeeze %dma_start3A_271 : memref<1x1x352xf32, #tpu.memory_space<hbm>> -> memref<352xf32, #tpu.memory_space<hbm>>
      %dma_start3A_273 = arith.constant 0 : i32
      %dma_start3A_274 = tpu.memref_slice %arg3[%select_n3A_167, %select_n3A_183, %dma_start3A_273] : memref<8x48x352xf32, #tpu.memory_space<hbm>> -> memref<1x1x352xf32, #tpu.memory_space<hbm>>
      %dma_start3A_275 = tpu.memref_squeeze %dma_start3A_274 : memref<1x1x352xf32, #tpu.memory_space<hbm>> -> memref<352xf32, #tpu.memory_space<hbm>>
      tpu.enqueue_dma source(%arg7 : memref<352xf32, #tpu.memory_space<vmem>>) target(%dma_start3A_275 : memref<352xf32, #tpu.memory_space<hbm>>) target_semaphore(%arg13 : memref<!tpu.dma_semaphore, #tpu.memory_space<semaphore_mem>>)
      %dma_start3A_276 = arith.constant 0 : i32
      %dma_start3A_277 = tpu.memref_slice %arg4[%select_n3A_167, %select_n3A_183, %dma_start3A_276] : memref<8x48x272xf32, #tpu.memory_space<hbm>> -> memref<1x1x272xf32, #tpu.memory_space<hbm>>
      %dma_start3A_278 = tpu.memref_squeeze %dma_start3A_277 : memref<1x1x272xf32, #tpu.memory_space<hbm>> -> memref<272xf32, #tpu.memory_space<hbm>>
      %dma_start3A_279 = arith.constant 0 : i32
      %dma_start3A_280 = tpu.memref_slice %arg4[%select_n3A_167, %select_n3A_183, %dma_start3A_279] : memref<8x48x272xf32, #tpu.memory_space<hbm>> -> memref<1x1x272xf32, #tpu.memory_space<hbm>>
      %dma_start3A_281 = tpu.memref_squeeze %dma_start3A_280 : memref<1x1x272xf32, #tpu.memory_space<hbm>> -> memref<272xf32, #tpu.memory_space<hbm>>
      tpu.enqueue_dma source(%arg8 : memref<272xf32, #tpu.memory_space<vmem>>) target(%dma_start3A_281 : memref<272xf32, #tpu.memory_space<hbm>>) target_semaphore(%arg13 : memref<!tpu.dma_semaphore, #tpu.memory_space<semaphore_mem>>)
      %dma_wait3A_282 = arith.constant 0 : i32
      %dma_wait3A_283 = tpu.memref_slice %arg2[%dma_wait3A_282] : memref<3840000xi32, #tpu.memory_space<hbm>> -> memref<10000xi32, #tpu.memory_space<hbm>>
      %dma_wait3A_284 = arith.constant 0 : i32
      %dma_wait3A_285 = tpu.memref_slice %arg2[%dma_wait3A_284] : memref<3840000xi32, #tpu.memory_space<hbm>> -> memref<10000xi32, #tpu.memory_space<hbm>>
      tpu.wait_dma2 semaphore(%arg12 : memref<!tpu.dma_semaphore, #tpu.memory_space<semaphore_mem>>) src(%dma_wait3A_285 : memref<10000xi32, #tpu.memory_space<hbm>>) dst(%arg6 : memref<10000xi32, #tpu.memory_space<vmem>>)
      %add3A_286 = arith.constant 2 : i32
      %add3A_287 = arith.addi %mul3A_84, %add3A_286 : i32
      %lt3A_288 = arith.constant 12 : i32
      %lt3A_289 = arith.cmpi slt, %add3A_287, %lt3A_288 : i32
      %convert_element_type3A_290 = arith.extui %lt3A_289 : i1 to i32
      %cond3A_291 = arith.constant 0 : i32
      %cond3A_292 = arith.cmpi ne, %convert_element_type3A_290, %cond3A_291 : i32
      scf.if %cond3A_292 {
        %add3A_441 = arith.constant 2 : i32
        %add3A_442 = arith.addi %mul3A_84, %add3A_441 : i32
        %mul3A_443 = arith.constant 12 : i32
        %mul3A_444 = arith.muli %add3A, %mul3A_443 : i32
        %add3A_445 = arith.addi %mul3A_444, %add3A_442 : i32
        %jit3A_446 = arith.constant 48 : i32
        %div3A_447 = arith.divsi %add3A_445, %jit3A_446 : i32
        %sign3A_448 = arith.constant 0 : i32
        %sign3A_449 = arith.cmpi sgt, %add3A_445, %sign3A_448 : i32
        %sign3A_450 = arith.extui %sign3A_449 : i1 to i32
        %sign3A_451 = arith.constant 0 : i32
        %sign3A_452 = arith.cmpi slt, %add3A_445, %sign3A_451 : i32
        %sign3A_453 = arith.extui %sign3A_452 : i1 to i32
        %sign3A_454 = arith.subi %sign3A_450, %sign3A_453 : i32
        %sign3A_455 = arith.constant 0 : i32
        %sign3A_456 = arith.cmpi sgt, %jit3A_446, %sign3A_455 : i32
        %sign3A_457 = arith.extui %sign3A_456 : i1 to i32
        %sign3A_458 = arith.constant 0 : i32
        %sign3A_459 = arith.cmpi slt, %jit3A_446, %sign3A_458 : i32
        %sign3A_460 = arith.extui %sign3A_459 : i1 to i32
        %sign3A_461 = arith.subi %sign3A_457, %sign3A_460 : i32
        %ne3A_462 = arith.cmpi ne, %sign3A_454, %sign3A_461 : i32
        %rem3A_463 = arith.remsi %add3A_445, %jit3A_446 : i32
        %ne3A_464 = arith.constant 0 : i32
        %ne3A_465 = arith.cmpi ne, %rem3A_463, %ne3A_464 : i32
        %and3A_466 = arith.andi %ne3A_462, %ne3A_465 : i1
        %sub3A_467 = arith.constant 1 : i32
        %sub3A_468 = arith.subi %div3A_447, %sub3A_467 : i32
        %select_n3A_469 = arith.select %and3A_466, %sub3A_468, %div3A_447 : i32
        %jit3A_470 = arith.constant 48 : i32
        %eq3A_471 = arith.constant 0 : i32
        %eq3A_472 = arith.cmpi eq, %jit3A_470, %eq3A_471 : i32
        %jit3A_473 = arith.constant 1 : i32
        %select_n3A_474 = arith.select %eq3A_472, %jit3A_473, %jit3A_470 : i32
        %rem3A_475 = arith.remsi %add3A_445, %select_n3A_474 : i32
        %ne3A_476 = arith.constant 0 : i32
        %ne3A_477 = arith.cmpi ne, %rem3A_475, %ne3A_476 : i32
        %lt3A_478 = arith.constant 0 : i32
        %lt3A_479 = arith.cmpi slt, %rem3A_475, %lt3A_478 : i32
        %lt3A_480 = arith.constant 0 : i32
        %lt3A_481 = arith.cmpi slt, %select_n3A_474, %lt3A_480 : i32
        %ne3A_482 = arith.xori %lt3A_479, %lt3A_481 : i1
        %and3A_483 = arith.andi %ne3A_482, %ne3A_477 : i1
        %add3A_484 = arith.addi %rem3A_475, %select_n3A_474 : i32
        %select_n3A_485 = arith.select %and3A_483, %add3A_484, %rem3A_475 : i32
        %mul3A_486 = arith.constant 480000 : i32
        %mul3A_487 = arith.muli %select_n3A_469, %mul3A_486 : i32
        %mul3A_488 = arith.constant 10000 : i32
        %mul3A_489 = arith.muli %select_n3A_485, %mul3A_488 : i32
        %add3A_490 = arith.addi %mul3A_487, %mul3A_489 : i32
        %dma_start3A_491 = tpu.memref_slice %arg2[%add3A_490] : memref<3840000xi32, #tpu.memory_space<hbm>> -> memref<10000xi32, #tpu.memory_space<hbm>>
        %dma_start3A_492 = tpu.memref_slice %arg2[%add3A_490] : memref<3840000xi32, #tpu.memory_space<hbm>> -> memref<10000xi32, #tpu.memory_space<hbm>>
        tpu.enqueue_dma source(%dma_start3A_492 : memref<10000xi32, #tpu.memory_space<hbm>>) target(%arg5 : memref<10000xi32, #tpu.memory_space<vmem>>) target_semaphore(%arg11 : memref<!tpu.dma_semaphore, #tpu.memory_space<semaphore_mem>>)
      } else {
      }
      %add3A_293 = arith.constant 1 : i32
      %add3A_294 = arith.addi %mul3A_84, %add3A_293 : i32
      %mul3A_295 = arith.constant 12 : i32
      %mul3A_296 = arith.muli %add3A, %mul3A_295 : i32
      %add3A_297 = arith.addi %mul3A_296, %add3A_294 : i32
      %jit3A_298 = arith.constant 48 : i32
      %div3A_299 = arith.divsi %add3A_297, %jit3A_298 : i32
      %sign3A_300 = arith.constant 0 : i32
      %sign3A_301 = arith.cmpi sgt, %add3A_297, %sign3A_300 : i32
      %sign3A_302 = arith.extui %sign3A_301 : i1 to i32
      %sign3A_303 = arith.constant 0 : i32
      %sign3A_304 = arith.cmpi slt, %add3A_297, %sign3A_303 : i32
      %sign3A_305 = arith.extui %sign3A_304 : i1 to i32
      %sign3A_306 = arith.subi %sign3A_302, %sign3A_305 : i32
      %sign3A_307 = arith.constant 0 : i32
      %sign3A_308 = arith.cmpi sgt, %jit3A_298, %sign3A_307 : i32
      %sign3A_309 = arith.extui %sign3A_308 : i1 to i32
      %sign3A_310 = arith.constant 0 : i32
      %sign3A_311 = arith.cmpi slt, %jit3A_298, %sign3A_310 : i32
      %sign3A_312 = arith.extui %sign3A_311 : i1 to i32
      %sign3A_313 = arith.subi %sign3A_309, %sign3A_312 : i32
      %ne3A_314 = arith.cmpi ne, %sign3A_306, %sign3A_313 : i32
      %rem3A_315 = arith.remsi %add3A_297, %jit3A_298 : i32
      %ne3A_316 = arith.constant 0 : i32
      %ne3A_317 = arith.cmpi ne, %rem3A_315, %ne3A_316 : i32
      %and3A_318 = arith.andi %ne3A_314, %ne3A_317 : i1
      %sub3A_319 = arith.constant 1 : i32
      %sub3A_320 = arith.subi %div3A_299, %sub3A_319 : i32
      %select_n3A_321 = arith.select %and3A_318, %sub3A_320, %div3A_299 : i32
      %jit3A_322 = arith.constant 48 : i32
      %eq3A_323 = arith.constant 0 : i32
      %eq3A_324 = arith.cmpi eq, %jit3A_322, %eq3A_323 : i32
      %jit3A_325 = arith.constant 1 : i32
      %select_n3A_326 = arith.select %eq3A_324, %jit3A_325, %jit3A_322 : i32
      %rem3A_327 = arith.remsi %add3A_297, %select_n3A_326 : i32
      %ne3A_328 = arith.constant 0 : i32
      %ne3A_329 = arith.cmpi ne, %rem3A_327, %ne3A_328 : i32
      %lt3A_330 = arith.constant 0 : i32
      %lt3A_331 = arith.cmpi slt, %rem3A_327, %lt3A_330 : i32
      %lt3A_332 = arith.constant 0 : i32
      %lt3A_333 = arith.cmpi slt, %select_n3A_326, %lt3A_332 : i32
      %ne3A_334 = arith.xori %lt3A_331, %lt3A_333 : i1
      %and3A_335 = arith.andi %ne3A_334, %ne3A_329 : i1
      %add3A_336 = arith.addi %rem3A_327, %select_n3A_326 : i32
      %select_n3A_337 = arith.select %and3A_335, %add3A_336, %rem3A_327 : i32
      %mul3A_338 = arith.constant 480000 : i32
      %mul3A_339 = arith.muli %select_n3A_321, %mul3A_338 : i32
      %mul3A_340 = arith.constant 10000 : i32
      %mul3A_341 = arith.muli %select_n3A_337, %mul3A_340 : i32
      %add3A_342 = arith.addi %mul3A_339, %mul3A_341 : i32
      %ge3A_343 = arith.constant 2 : i32
      %ge3A_344 = arith.cmpi sge, %add3A_294, %ge3A_343 : i32
      %convert_element_type3A_345 = arith.extui %ge3A_344 : i1 to i32
      %cond3A_346 = arith.constant 0 : i32
      %cond3A_347 = arith.cmpi ne, %convert_element_type3A_345, %cond3A_346 : i32
      scf.if %cond3A_347 {
        %dma_wait3A_441 = arith.constant 0 : i32
        %dma_wait3A_442 = arith.constant 0 : i32
        %dma_wait3A_443 = arith.constant 0 : i32
        %dma_wait3A_444 = tpu.memref_slice %arg3[%dma_wait3A_441, %dma_wait3A_442, %dma_wait3A_443] : memref<8x48x352xf32, #tpu.memory_space<hbm>> -> memref<1x1x352xf32, #tpu.memory_space<hbm>>
        %dma_wait3A_445 = tpu.memref_squeeze %dma_wait3A_444 : memref<1x1x352xf32, #tpu.memory_space<hbm>> -> memref<352xf32, #tpu.memory_space<hbm>>
        %dma_wait3A_446 = arith.constant 0 : i32
        %dma_wait3A_447 = tpu.memref_slice %arg3[%dma_wait3A_441, %dma_wait3A_442, %dma_wait3A_446] : memref<8x48x352xf32, #tpu.memory_space<hbm>> -> memref<1x1x352xf32, #tpu.memory_space<hbm>>
        %dma_wait3A_448 = tpu.memref_squeeze %dma_wait3A_447 : memref<1x1x352xf32, #tpu.memory_space<hbm>> -> memref<352xf32, #tpu.memory_space<hbm>>
        tpu.wait_dma2 semaphore(%arg14 : memref<!tpu.dma_semaphore, #tpu.memory_space<semaphore_mem>>) src(%arg9 : memref<352xf32, #tpu.memory_space<vmem>>) dst(%dma_wait3A_448 : memref<352xf32, #tpu.memory_space<hbm>>)
        %dma_wait3A_449 = arith.constant 0 : i32
        %dma_wait3A_450 = arith.constant 0 : i32
        %dma_wait3A_451 = arith.constant 0 : i32
        %dma_wait3A_452 = tpu.memref_slice %arg4[%dma_wait3A_449, %dma_wait3A_450, %dma_wait3A_451] : memref<8x48x272xf32, #tpu.memory_space<hbm>> -> memref<1x1x272xf32, #tpu.memory_space<hbm>>
        %dma_wait3A_453 = tpu.memref_squeeze %dma_wait3A_452 : memref<1x1x272xf32, #tpu.memory_space<hbm>> -> memref<272xf32, #tpu.memory_space<hbm>>
        %dma_wait3A_454 = arith.constant 0 : i32
        %dma_wait3A_455 = tpu.memref_slice %arg4[%dma_wait3A_449, %dma_wait3A_450, %dma_wait3A_454] : memref<8x48x272xf32, #tpu.memory_space<hbm>> -> memref<1x1x272xf32, #tpu.memory_space<hbm>>
        %dma_wait3A_456 = tpu.memref_squeeze %dma_wait3A_455 : memref<1x1x272xf32, #tpu.memory_space<hbm>> -> memref<272xf32, #tpu.memory_space<hbm>>
        tpu.wait_dma2 semaphore(%arg14 : memref<!tpu.dma_semaphore, #tpu.memory_space<semaphore_mem>>) src(%arg10 : memref<272xf32, #tpu.memory_space<vmem>>) dst(%dma_wait3A_456 : memref<272xf32, #tpu.memory_space<hbm>>)
      } else {
      }
      %swap3A_348 = arith.constant 0 : index
      %swap3A_349 = tpu.vector_load %arg9[%swap3A_348] {strides = array<i32>} : memref<352xf32, #tpu.memory_space<vmem>>, vector<16xf32>,
      tpu.vector_store %arg9[%swap3A_348], %broadcast_in_dim3A_3 {strides = array<i32>} : memref<352xf32, #tpu.memory_space<vmem>>, vector<16xf32>,
      %swap3A_350 = arith.constant 16 : index
      %swap3A_351 = tpu.vector_load %arg9[%swap3A_350] {strides = array<i32>} : memref<352xf32, #tpu.memory_space<vmem>>, vector<16xf32>,
      tpu.vector_store %arg9[%swap3A_350], %broadcast_in_dim3A_3 {strides = array<i32>} : memref<352xf32, #tpu.memory_space<vmem>>, vector<16xf32>,
      %swap3A_352 = arith.constant 32 : index
      %swap3A_353 = tpu.vector_load %arg9[%swap3A_352] {strides = array<i32>} : memref<352xf32, #tpu.memory_space<vmem>>, vector<16xf32>,
      tpu.vector_store %arg9[%swap3A_352], %broadcast_in_dim3A_3 {strides = array<i32>} : memref<352xf32, #tpu.memory_space<vmem>>, vector<16xf32>,
      %swap3A_354 = arith.constant 48 : index
      %swap3A_355 = tpu.vector_load %arg9[%swap3A_354] {strides = array<i32>} : memref<352xf32, #tpu.memory_space<vmem>>, vector<16xf32>,
      tpu.vector_store %arg9[%swap3A_354], %broadcast_in_dim3A_3 {strides = array<i32>} : memref<352xf32, #tpu.memory_space<vmem>>, vector<16xf32>,
      %swap3A_356 = arith.constant 64 : index
      %swap3A_357 = tpu.vector_load %arg9[%swap3A_356] {strides = array<i32>} : memref<352xf32, #tpu.memory_space<vmem>>, vector<16xf32>,
      tpu.vector_store %arg9[%swap3A_356], %broadcast_in_dim3A_3 {strides = array<i32>} : memref<352xf32, #tpu.memory_space<vmem>>, vector<16xf32>,
      %swap3A_358 = arith.constant 80 : index
      %swap3A_359 = tpu.vector_load %arg9[%swap3A_358] {strides = array<i32>} : memref<352xf32, #tpu.memory_space<vmem>>, vector<16xf32>,
      tpu.vector_store %arg9[%swap3A_358], %broadcast_in_dim3A_3 {strides = array<i32>} : memref<352xf32, #tpu.memory_space<vmem>>, vector<16xf32>,
      %swap3A_360 = arith.constant 96 : index
      %swap3A_361 = tpu.vector_load %arg9[%swap3A_360] {strides = array<i32>} : memref<352xf32, #tpu.memory_space<vmem>>, vector<16xf32>,
      tpu.vector_store %arg9[%swap3A_360], %broadcast_in_dim3A_3 {strides = array<i32>} : memref<352xf32, #tpu.memory_space<vmem>>, vector<16xf32>,
      %swap3A_362 = arith.constant 112 : index
      %swap3A_363 = tpu.vector_load %arg9[%swap3A_362] {strides = array<i32>} : memref<352xf32, #tpu.memory_space<vmem>>, vector<16xf32>,
      tpu.vector_store %arg9[%swap3A_362], %broadcast_in_dim3A_3 {strides = array<i32>} : memref<352xf32, #tpu.memory_space<vmem>>, vector<16xf32>,
      %swap3A_364 = arith.constant 128 : index
      %swap3A_365 = tpu.vector_load %arg9[%swap3A_364] {strides = array<i32>} : memref<352xf32, #tpu.memory_space<vmem>>, vector<16xf32>,
      tpu.vector_store %arg9[%swap3A_364], %broadcast_in_dim3A_3 {strides = array<i32>} : memref<352xf32, #tpu.memory_space<vmem>>, vector<16xf32>,
      %swap3A_366 = arith.constant 144 : index
      %swap3A_367 = tpu.vector_load %arg9[%swap3A_366] {strides = array<i32>} : memref<352xf32, #tpu.memory_space<vmem>>, vector<16xf32>,
      tpu.vector_store %arg9[%swap3A_366], %broadcast_in_dim3A_3 {strides = array<i32>} : memref<352xf32, #tpu.memory_space<vmem>>, vector<16xf32>,
      %swap3A_368 = arith.constant 160 : index
      %swap3A_369 = tpu.vector_load %arg9[%swap3A_368] {strides = array<i32>} : memref<352xf32, #tpu.memory_space<vmem>>, vector<16xf32>,
      tpu.vector_store %arg9[%swap3A_368], %broadcast_in_dim3A_3 {strides = array<i32>} : memref<352xf32, #tpu.memory_space<vmem>>, vector<16xf32>,
      %swap3A_370 = arith.constant 176 : index
      %swap3A_371 = tpu.vector_load %arg9[%swap3A_370] {strides = array<i32>} : memref<352xf32, #tpu.memory_space<vmem>>, vector<16xf32>,
      tpu.vector_store %arg9[%swap3A_370], %broadcast_in_dim3A_3 {strides = array<i32>} : memref<352xf32, #tpu.memory_space<vmem>>, vector<16xf32>,
      %swap3A_372 = arith.constant 192 : index
      %swap3A_373 = tpu.vector_load %arg9[%swap3A_372] {strides = array<i32>} : memref<352xf32, #tpu.memory_space<vmem>>, vector<16xf32>,
      tpu.vector_store %arg9[%swap3A_372], %broadcast_in_dim3A_3 {strides = array<i32>} : memref<352xf32, #tpu.memory_space<vmem>>, vector<16xf32>,
      %swap3A_374 = arith.constant 208 : index
      %swap3A_375 = tpu.vector_load %arg9[%swap3A_374] {strides = array<i32>} : memref<352xf32, #tpu.memory_space<vmem>>, vector<16xf32>,
      tpu.vector_store %arg9[%swap3A_374], %broadcast_in_dim3A_3 {strides = array<i32>} : memref<352xf32, #tpu.memory_space<vmem>>, vector<16xf32>,
      %swap3A_376 = arith.constant 224 : index
      %swap3A_377 = tpu.vector_load %arg9[%swap3A_376] {strides = array<i32>} : memref<352xf32, #tpu.memory_space<vmem>>, vector<16xf32>,
      tpu.vector_store %arg9[%swap3A_376], %broadcast_in_dim3A_3 {strides = array<i32>} : memref<352xf32, #tpu.memory_space<vmem>>, vector<16xf32>,
      %swap3A_378 = arith.constant 240 : index
      %swap3A_379 = tpu.vector_load %arg9[%swap3A_378] {strides = array<i32>} : memref<352xf32, #tpu.memory_space<vmem>>, vector<16xf32>,
      tpu.vector_store %arg9[%swap3A_378], %broadcast_in_dim3A_3 {strides = array<i32>} : memref<352xf32, #tpu.memory_space<vmem>>, vector<16xf32>,
      %swap3A_380 = arith.constant 256 : index
      %swap3A_381 = tpu.vector_load %arg9[%swap3A_380] {strides = array<i32>} : memref<352xf32, #tpu.memory_space<vmem>>, vector<16xf32>,
      tpu.vector_store %arg9[%swap3A_380], %broadcast_in_dim3A_3 {strides = array<i32>} : memref<352xf32, #tpu.memory_space<vmem>>, vector<16xf32>,
      %swap3A_382 = arith.constant 272 : index
      %swap3A_383 = tpu.vector_load %arg9[%swap3A_382] {strides = array<i32>} : memref<352xf32, #tpu.memory_space<vmem>>, vector<16xf32>,
      tpu.vector_store %arg9[%swap3A_382], %broadcast_in_dim3A_3 {strides = array<i32>} : memref<352xf32, #tpu.memory_space<vmem>>, vector<16xf32>,
      %swap3A_384 = arith.constant 288 : index
      %swap3A_385 = tpu.vector_load %arg9[%swap3A_384] {strides = array<i32>} : memref<352xf32, #tpu.memory_space<vmem>>, vector<16xf32>,
      tpu.vector_store %arg9[%swap3A_384], %broadcast_in_dim3A_3 {strides = array<i32>} : memref<352xf32, #tpu.memory_space<vmem>>, vector<16xf32>,
      %swap3A_386 = arith.constant 304 : index
      %swap3A_387 = tpu.vector_load %arg9[%swap3A_386] {strides = array<i32>} : memref<352xf32, #tpu.memory_space<vmem>>, vector<16xf32>,
      tpu.vector_store %arg9[%swap3A_386], %broadcast_in_dim3A_3 {strides = array<i32>} : memref<352xf32, #tpu.memory_space<vmem>>, vector<16xf32>,
      %swap3A_388 = arith.constant 320 : index
      %swap3A_389 = tpu.vector_load %arg9[%swap3A_388] {strides = array<i32>} : memref<352xf32, #tpu.memory_space<vmem>>, vector<16xf32>,
      tpu.vector_store %arg9[%swap3A_388], %broadcast_in_dim3A_3 {strides = array<i32>} : memref<352xf32, #tpu.memory_space<vmem>>, vector<16xf32>,
      %swap3A_390 = arith.constant 336 : index
      %swap3A_391 = tpu.vector_load %arg9[%swap3A_390] {strides = array<i32>} : memref<352xf32, #tpu.memory_space<vmem>>, vector<16xf32>,
      tpu.vector_store %arg9[%swap3A_390], %broadcast_in_dim3A_3 {strides = array<i32>} : memref<352xf32, #tpu.memory_space<vmem>>, vector<16xf32>,
      %swap3A_392 = arith.constant 0 : index
      %swap3A_393 = tpu.vector_load %arg10[%swap3A_392] {strides = array<i32>} : memref<272xf32, #tpu.memory_space<vmem>>, vector<16xf32>,
      tpu.vector_store %arg10[%swap3A_392], %broadcast_in_dim3A_3 {strides = array<i32>} : memref<272xf32, #tpu.memory_space<vmem>>, vector<16xf32>,
      %swap3A_394 = arith.constant 16 : index
      %swap3A_395 = tpu.vector_load %arg10[%swap3A_394] {strides = array<i32>} : memref<272xf32, #tpu.memory_space<vmem>>, vector<16xf32>,
      tpu.vector_store %arg10[%swap3A_394], %broadcast_in_dim3A_3 {strides = array<i32>} : memref<272xf32, #tpu.memory_space<vmem>>, vector<16xf32>,
      %swap3A_396 = arith.constant 32 : index
      %swap3A_397 = tpu.vector_load %arg10[%swap3A_396] {strides = array<i32>} : memref<272xf32, #tpu.memory_space<vmem>>, vector<16xf32>,
      tpu.vector_store %arg10[%swap3A_396], %broadcast_in_dim3A_3 {strides = array<i32>} : memref<272xf32, #tpu.memory_space<vmem>>, vector<16xf32>,
      %swap3A_398 = arith.constant 48 : index
      %swap3A_399 = tpu.vector_load %arg10[%swap3A_398] {strides = array<i32>} : memref<272xf32, #tpu.memory_space<vmem>>, vector<16xf32>,
      tpu.vector_store %arg10[%swap3A_398], %broadcast_in_dim3A_3 {strides = array<i32>} : memref<272xf32, #tpu.memory_space<vmem>>, vector<16xf32>,
      %swap3A_400 = arith.constant 64 : index
      %swap3A_401 = tpu.vector_load %arg10[%swap3A_400] {strides = array<i32>} : memref<272xf32, #tpu.memory_space<vmem>>, vector<16xf32>,
      tpu.vector_store %arg10[%swap3A_400], %broadcast_in_dim3A_3 {strides = array<i32>} : memref<272xf32, #tpu.memory_space<vmem>>, vector<16xf32>,
      %swap3A_402 = arith.constant 80 : index
      %swap3A_403 = tpu.vector_load %arg10[%swap3A_402] {strides = array<i32>} : memref<272xf32, #tpu.memory_space<vmem>>, vector<16xf32>,
      tpu.vector_store %arg10[%swap3A_402], %broadcast_in_dim3A_3 {strides = array<i32>} : memref<272xf32, #tpu.memory_space<vmem>>, vector<16xf32>,
      %swap3A_404 = arith.constant 96 : index
      %swap3A_405 = tpu.vector_load %arg10[%swap3A_404] {strides = array<i32>} : memref<272xf32, #tpu.memory_space<vmem>>, vector<16xf32>,
      tpu.vector_store %arg10[%swap3A_404], %broadcast_in_dim3A_3 {strides = array<i32>} : memref<272xf32, #tpu.memory_space<vmem>>, vector<16xf32>,
      %swap3A_406 = arith.constant 112 : index
      %swap3A_407 = tpu.vector_load %arg10[%swap3A_406] {strides = array<i32>} : memref<272xf32, #tpu.memory_space<vmem>>, vector<16xf32>,
      tpu.vector_store %arg10[%swap3A_406], %broadcast_in_dim3A_3 {strides = array<i32>} : memref<272xf32, #tpu.memory_space<vmem>>, vector<16xf32>,
      %swap3A_408 = arith.constant 128 : index
      %swap3A_409 = tpu.vector_load %arg10[%swap3A_408] {strides = array<i32>} : memref<272xf32, #tpu.memory_space<vmem>>, vector<16xf32>,
      tpu.vector_store %arg10[%swap3A_408], %broadcast_in_dim3A_3 {strides = array<i32>} : memref<272xf32, #tpu.memory_space<vmem>>, vector<16xf32>,
      %swap3A_410 = arith.constant 144 : index
      %swap3A_411 = tpu.vector_load %arg10[%swap3A_410] {strides = array<i32>} : memref<272xf32, #tpu.memory_space<vmem>>, vector<16xf32>,
      tpu.vector_store %arg10[%swap3A_410], %broadcast_in_dim3A_3 {strides = array<i32>} : memref<272xf32, #tpu.memory_space<vmem>>, vector<16xf32>,
      %swap3A_412 = arith.constant 160 : index
      %swap3A_413 = tpu.vector_load %arg10[%swap3A_412] {strides = array<i32>} : memref<272xf32, #tpu.memory_space<vmem>>, vector<16xf32>,
      tpu.vector_store %arg10[%swap3A_412], %broadcast_in_dim3A_3 {strides = array<i32>} : memref<272xf32, #tpu.memory_space<vmem>>, vector<16xf32>,
      %swap3A_414 = arith.constant 176 : index
      %swap3A_415 = tpu.vector_load %arg10[%swap3A_414] {strides = array<i32>} : memref<272xf32, #tpu.memory_space<vmem>>, vector<16xf32>,
      tpu.vector_store %arg10[%swap3A_414], %broadcast_in_dim3A_3 {strides = array<i32>} : memref<272xf32, #tpu.memory_space<vmem>>, vector<16xf32>,
      %swap3A_416 = arith.constant 192 : index
      %swap3A_417 = tpu.vector_load %arg10[%swap3A_416] {strides = array<i32>} : memref<272xf32, #tpu.memory_space<vmem>>, vector<16xf32>,
      tpu.vector_store %arg10[%swap3A_416], %broadcast_in_dim3A_3 {strides = array<i32>} : memref<272xf32, #tpu.memory_space<vmem>>, vector<16xf32>,
      %swap3A_418 = arith.constant 208 : index
      %swap3A_419 = tpu.vector_load %arg10[%swap3A_418] {strides = array<i32>} : memref<272xf32, #tpu.memory_space<vmem>>, vector<16xf32>,
      tpu.vector_store %arg10[%swap3A_418], %broadcast_in_dim3A_3 {strides = array<i32>} : memref<272xf32, #tpu.memory_space<vmem>>, vector<16xf32>,
      %swap3A_420 = arith.constant 224 : index
      %swap3A_421 = tpu.vector_load %arg10[%swap3A_420] {strides = array<i32>} : memref<272xf32, #tpu.memory_space<vmem>>, vector<16xf32>,
      tpu.vector_store %arg10[%swap3A_420], %broadcast_in_dim3A_3 {strides = array<i32>} : memref<272xf32, #tpu.memory_space<vmem>>, vector<16xf32>,
      %swap3A_422 = arith.constant 240 : index
      %swap3A_423 = tpu.vector_load %arg10[%swap3A_422] {strides = array<i32>} : memref<272xf32, #tpu.memory_space<vmem>>, vector<16xf32>,
      tpu.vector_store %arg10[%swap3A_422], %broadcast_in_dim3A_3 {strides = array<i32>} : memref<272xf32, #tpu.memory_space<vmem>>, vector<16xf32>,
      %swap3A_424 = arith.constant 256 : index
      %swap3A_425 = tpu.vector_load %arg10[%swap3A_424] {strides = array<i32>} : memref<272xf32, #tpu.memory_space<vmem>>, vector<16xf32>,
      tpu.vector_store %arg10[%swap3A_424], %broadcast_in_dim3A_3 {strides = array<i32>} : memref<272xf32, #tpu.memory_space<vmem>>, vector<16xf32>,
      %parallel_loop3A_426 = arith.constant 0 : i32
      %parallel_loop3A_427 = arith.constant 10000 : i32
      %parallel_loop3A_428 = arith.constant 16 : i32
      scf.for %parallel_loop3A_441 = %parallel_loop3A_426 to %parallel_loop3A_427 step %parallel_loop3A_428  : i32 {
        %parallel_loop3A_442 = arith.index_cast %parallel_loop3A_441 : i32 to index
        %parallel_loop3A_443 = tpu.vector_load %arg6[%parallel_loop3A_442] {strides = array<i32>} : memref<10000xi32, #tpu.memory_space<vmem>>, vector<16xi32>,
        %parallel_loop3A_444 = arith.andi %parallel_loop3A_443, %broadcast_in_dim3A_5 : vector<16xi32>
        %parallel_loop3A_445 = arith.constant 9 : i32
        %parallel_loop3A_446 = vector.broadcast %parallel_loop3A_445 : i32 to vector<16xi32>
        %parallel_loop3A_447 = arith.shrui %parallel_loop3A_443, %parallel_loop3A_446 : vector<16xi32>
        tpu.vector_store_idx %arg9[%parallel_loop3A_444], %broadcast_in_dim3A_1 {add = true} : memref<352xf32, #tpu.memory_space<vmem>>[vector<16xi32>], vector<16xf32>,
        tpu.vector_store_idx %arg10[%parallel_loop3A_447], %broadcast_in_dim3A_1 {add = true} : memref<272xf32, #tpu.memory_space<vmem>>[vector<16xi32>], vector<16xf32>,
      } {sc.loop_unroll_factor = 10 : i64, sc.parallel_access}
      %dma_start3A_429 = arith.constant 0 : i32
      %dma_start3A_430 = tpu.memref_slice %arg3[%select_n3A_321, %select_n3A_337, %dma_start3A_429] : memref<8x48x352xf32, #tpu.memory_space<hbm>> -> memref<1x1x352xf32, #tpu.memory_space<hbm>>
      %dma_start3A_431 = tpu.memref_squeeze %dma_start3A_430 : memref<1x1x352xf32, #tpu.memory_space<hbm>> -> memref<352xf32, #tpu.memory_space<hbm>>
      %dma_start3A_432 = arith.constant 0 : i32
      %dma_start3A_433 = tpu.memref_slice %arg3[%select_n3A_321, %select_n3A_337, %dma_start3A_432] : memref<8x48x352xf32, #tpu.memory_space<hbm>> -> memref<1x1x352xf32, #tpu.memory_space<hbm>>
      %dma_start3A_434 = tpu.memref_squeeze %dma_start3A_433 : memref<1x1x352xf32, #tpu.memory_space<hbm>> -> memref<352xf32, #tpu.memory_space<hbm>>
      tpu.enqueue_dma source(%arg9 : memref<352xf32, #tpu.memory_space<vmem>>) target(%dma_start3A_434 : memref<352xf32, #tpu.memory_space<hbm>>) target_semaphore(%arg14 : memref<!tpu.dma_semaphore, #tpu.memory_space<semaphore_mem>>)
      %dma_start3A_435 = arith.constant 0 : i32
      %dma_start3A_436 = tpu.memref_slice %arg4[%select_n3A_321, %select_n3A_337, %dma_start3A_435] : memref<8x48x272xf32, #tpu.memory_space<hbm>> -> memref<1x1x272xf32, #tpu.memory_space<hbm>>
      %dma_start3A_437 = tpu.memref_squeeze %dma_start3A_436 : memref<1x1x272xf32, #tpu.memory_space<hbm>> -> memref<272xf32, #tpu.memory_space<hbm>>
      %dma_start3A_438 = arith.constant 0 : i32
      %dma_start3A_439 = tpu.memref_slice %arg4[%select_n3A_321, %select_n3A_337, %dma_start3A_438] : memref<8x48x272xf32, #tpu.memory_space<hbm>> -> memref<1x1x272xf32, #tpu.memory_space<hbm>>
      %dma_start3A_440 = tpu.memref_squeeze %dma_start3A_439 : memref<1x1x272xf32, #tpu.memory_space<hbm>> -> memref<272xf32, #tpu.memory_space<hbm>>
      tpu.enqueue_dma source(%arg10 : memref<272xf32, #tpu.memory_space<vmem>>) target(%dma_start3A_440 : memref<272xf32, #tpu.memory_space<hbm>>) target_semaphore(%arg14 : memref<!tpu.dma_semaphore, #tpu.memory_space<semaphore_mem>>)
    }
    %scan3A_50 = arith.constant 6 : i32
    %dma_wait3A = arith.constant 0 : i32
    %dma_wait3A_51 = arith.constant 0 : i32
    %dma_wait3A_52 = arith.constant 0 : i32
    %dma_wait3A_53 = tpu.memref_slice %arg3[%dma_wait3A, %dma_wait3A_51, %dma_wait3A_52] : memref<8x48x352xf32, #tpu.memory_space<hbm>> -> memref<1x1x352xf32, #tpu.memory_space<hbm>>
    %dma_wait3A_54 = tpu.memref_squeeze %dma_wait3A_53 : memref<1x1x352xf32, #tpu.memory_space<hbm>> -> memref<352xf32, #tpu.memory_space<hbm>>
    %dma_wait3A_55 = arith.constant 0 : i32
    %dma_wait3A_56 = tpu.memref_slice %arg3[%dma_wait3A, %dma_wait3A_51, %dma_wait3A_55] : memref<8x48x352xf32, #tpu.memory_space<hbm>> -> memref<1x1x352xf32, #tpu.memory_space<hbm>>
    %dma_wait3A_57 = tpu.memref_squeeze %dma_wait3A_56 : memref<1x1x352xf32, #tpu.memory_space<hbm>> -> memref<352xf32, #tpu.memory_space<hbm>>
    tpu.wait_dma2 semaphore(%arg13 : memref<!tpu.dma_semaphore, #tpu.memory_space<semaphore_mem>>) src(%arg7 : memref<352xf32, #tpu.memory_space<vmem>>) dst(%dma_wait3A_57 : memref<352xf32, #tpu.memory_space<hbm>>)
    %dma_wait3A_58 = arith.constant 0 : i32
    %dma_wait3A_59 = arith.constant 0 : i32
    %dma_wait3A_60 = arith.constant 0 : i32
    %dma_wait3A_61 = tpu.memref_slice %arg4[%dma_wait3A_58, %dma_wait3A_59, %dma_wait3A_60] : memref<8x48x272xf32, #tpu.memory_space<hbm>> -> memref<1x1x272xf32, #tpu.memory_space<hbm>>
    %dma_wait3A_62 = tpu.memref_squeeze %dma_wait3A_61 : memref<1x1x272xf32, #tpu.memory_space<hbm>> -> memref<272xf32, #tpu.memory_space<hbm>>
    %dma_wait3A_63 = arith.constant 0 : i32
    %dma_wait3A_64 = tpu.memref_slice %arg4[%dma_wait3A_58, %dma_wait3A_59, %dma_wait3A_63] : memref<8x48x272xf32, #tpu.memory_space<hbm>> -> memref<1x1x272xf32, #tpu.memory_space<hbm>>
    %dma_wait3A_65 = tpu.memref_squeeze %dma_wait3A_64 : memref<1x1x272xf32, #tpu.memory_space<hbm>> -> memref<272xf32, #tpu.memory_space<hbm>>
    tpu.wait_dma2 semaphore(%arg13 : memref<!tpu.dma_semaphore, #tpu.memory_space<semaphore_mem>>) src(%arg8 : memref<272xf32, #tpu.memory_space<vmem>>) dst(%dma_wait3A_65 : memref<272xf32, #tpu.memory_space<hbm>>)
    %dma_wait3A_66 = arith.constant 0 : i32
    %dma_wait3A_67 = arith.constant 0 : i32
    %dma_wait3A_68 = arith.constant 0 : i32
    %dma_wait3A_69 = tpu.memref_slice %arg3[%dma_wait3A_66, %dma_wait3A_67, %dma_wait3A_68] : memref<8x48x352xf32, #tpu.memory_space<hbm>> -> memref<1x1x352xf32, #tpu.memory_space<hbm>>
    %dma_wait3A_70 = tpu.memref_squeeze %dma_wait3A_69 : memref<1x1x352xf32, #tpu.memory_space<hbm>> -> memref<352xf32, #tpu.memory_space<hbm>>
    %dma_wait3A_71 = arith.constant 0 : i32
    %dma_wait3A_72 = tpu.memref_slice %arg3[%dma_wait3A_66, %dma_wait3A_67, %dma_wait3A_71] : memref<8x48x352xf32, #tpu.memory_space<hbm>> -> memref<1x1x352xf32, #tpu.memory_space<hbm>>
    %dma_wait3A_73 = tpu.memref_squeeze %dma_wait3A_72 : memref<1x1x352xf32, #tpu.memory_space<hbm>> -> memref<352xf32, #tpu.memory_space<hbm>>
    tpu.wait_dma2 semaphore(%arg14 : memref<!tpu.dma_semaphore, #tpu.memory_space<semaphore_mem>>) src(%arg9 : memref<352xf32, #tpu.memory_space<vmem>>) dst(%dma_wait3A_73 : memref<352xf32, #tpu.memory_space<hbm>>)
    %dma_wait3A_74 = arith.constant 0 : i32
    %dma_wait3A_75 = arith.constant 0 : i32
    %dma_wait3A_76 = arith.constant 0 : i32
    %dma_wait3A_77 = tpu.memref_slice %arg4[%dma_wait3A_74, %dma_wait3A_75, %dma_wait3A_76] : memref<8x48x272xf32, #tpu.memory_space<hbm>> -> memref<1x1x272xf32, #tpu.memory_space<hbm>>
    %dma_wait3A_78 = tpu.memref_squeeze %dma_wait3A_77 : memref<1x1x272xf32, #tpu.memory_space<hbm>> -> memref<272xf32, #tpu.memory_space<hbm>>
    %dma_wait3A_79 = arith.constant 0 : i32
    %dma_wait3A_80 = tpu.memref_slice %arg4[%dma_wait3A_74, %dma_wait3A_75, %dma_wait3A_79] : memref<8x48x272xf32, #tpu.memory_space<hbm>> -> memref<1x1x272xf32, #tpu.memory_space<hbm>>
    %dma_wait3A_81 = tpu.memref_squeeze %dma_wait3A_80 : memref<1x1x272xf32, #tpu.memory_space<hbm>> -> memref<272xf32, #tpu.memory_space<hbm>>
    tpu.wait_dma2 semaphore(%arg14 : memref<!tpu.dma_semaphore, #tpu.memory_space<semaphore_mem>>) src(%arg10 : memref<272xf32, #tpu.memory_space<vmem>>) dst(%dma_wait3A_81 : memref<272xf32, #tpu.memory_space<hbm>>)
    return
  }
}

module attributes {stable_mosaic.version = 14 : i64} {
  func.func @_post_body(%arg0: memref<8x48x352xf32, #tpu.memory_space<vmem>>, %arg1: memref<8x48x272xf32, #tpu.memory_space<vmem>>, %arg2: memref<3x8x2048xf32, #tpu.memory_space<vmem>>, %arg3: memref<8x3x2048xf32, #tpu.memory_space<vmem>>) attributes {dimension_semantics = [], scalar_prefetch = 0 : i64, scratch_operands = 0 : i64, tpu.core_type = #tpu.core_type<tc>} {
    %get3A = arith.constant 0 : index
    %get3A_0 = arith.constant 0 : index
    %get3A_1 = arith.constant 0 : index
    %get3A_2 = vector.load %arg0[%get3A, %get3A_0, %get3A_1] : memref<8x48x352xf32, #tpu.memory_space<vmem>>, vector<8x48x352xf32>
    %iota3A = tpu.iota {dimensions = array<i32: 2>} : vector<8x48x352xi32>
    %lt3A = arith.constant 346 : i32
    %lt3A_3 = vector.broadcast %lt3A : i32 to vector<8x48x352xi32>
    %lt3A_4 = arith.cmpi slt, %iota3A, %lt3A_3 : vector<8x48x352xi32>
    %jit3A = arith.constant 0.000000e+00 : f32
    %broadcast_in_dim3A = vector.broadcast %jit3A : f32 to vector<8x48x352xf32>
    %select_n3A = arith.select %lt3A_4, %get3A_2, %broadcast_in_dim3A : vector<8x48x352xi1>, vector<8x48x352xf32>
    %reduce_sum3A = arith.constant dense<0.000000e+00> : vector<8xf32>
    %reduce_sum3A_5 = vector.multi_reduction <add>, %select_n3A, %reduce_sum3A [1, 2] : vector<8x48x352xf32> to vector<8xf32>
    %mul3A = arith.mulf %select_n3A, %select_n3A : vector<8x48x352xf32>
    %reduce_sum3A_6 = arith.constant dense<0.000000e+00> : vector<8xf32>
    %reduce_sum3A_7 = vector.multi_reduction <add>, %mul3A, %reduce_sum3A_6 [1, 2] : vector<8x48x352xf32> to vector<8xf32>
    %div3A = arith.constant 1.660800e+04 : f32
    %div3A_8 = vector.broadcast %div3A : f32 to vector<8xf32>
    %div3A_9 = arith.divf %reduce_sum3A_5, %div3A_8 : vector<8xf32>
    %mul3A_10 = arith.mulf %reduce_sum3A_5, %reduce_sum3A_5 : vector<8xf32>
    %div3A_11 = arith.constant 1.660800e+04 : f32
    %div3A_12 = vector.broadcast %div3A_11 : f32 to vector<8xf32>
    %div3A_13 = arith.divf %mul3A_10, %div3A_12 : vector<8xf32>
    %sub3A = arith.subf %reduce_sum3A_7, %div3A_13 : vector<8xf32>
    %div3A_14 = arith.constant 1.660700e+04 : f32
    %div3A_15 = vector.broadcast %div3A_14 : f32 to vector<8xf32>
    %div3A_16 = arith.divf %sub3A, %div3A_15 : vector<8xf32>
    %sqrt3A = math.sqrt %div3A_16 : vector<8xf32>
    %mul3A_17 = arith.constant 3.000000e+00 : f32
    %mul3A_18 = vector.broadcast %mul3A_17 : f32 to vector<8xf32>
    %mul3A_19 = arith.mulf %mul3A_18, %sqrt3A : vector<8xf32>
    %add3A = arith.addf %div3A_9, %mul3A_19 : vector<8xf32>
    %slice3A = vector.extract_strided_slice %select_n3A {offsets = [0, 1, 0], sizes = [8, 5, 352], strides = [1, 1, 1]} : vector<8x48x352xf32> to vector<8x5x352xf32>
    %broadcast_in_dim3A_20 = vector.shape_cast %add3A : vector<8xf32> to vector<8x1x1xf32>
    %jit3A_21 = arith.constant 0.000000e+00 : f32
    %max3A = vector.broadcast %jit3A_21 : f32 to vector<8x5x352xf32>
    %max3A_22 = arith.maximumf %max3A, %slice3A : vector<8x5x352xf32>
    %min3A = vector.broadcast %broadcast_in_dim3A_20 : vector<8x1x1xf32> to vector<8x5x352xf32>
    %min3A_23 = arith.minimumf %min3A, %max3A_22 : vector<8x5x352xf32>
    %reduce_sum3A_24 = arith.constant dense<0.000000e+00> : vector<8x352xf32>
    %reduce_sum3A_25 = vector.multi_reduction <add>, %min3A_23, %reduce_sum3A_24 [1] : vector<8x5x352xf32> to vector<8x352xf32>
    %iota3A_26 = tpu.iota {dimensions = array<i32: 1>} : vector<8x352xi32>
    %convert_element_type3A = arith.sitofp %iota3A_26 : vector<8x352xi32> to vector<8x352xf32>
    %mul3A_27 = arith.constant 5.000000e+00 : f32
    %mul3A_28 = vector.broadcast %mul3A_27 : f32 to vector<8x352xf32>
    %mul3A_29 = arith.mulf %mul3A_28, %convert_element_type3A : vector<8x352xf32>
    %eq3A = arith.constant 0 : i32
    %eq3A_30 = vector.broadcast %eq3A : i32 to vector<8x352xi32>
    %eq3A_31 = arith.cmpi eq, %iota3A_26, %eq3A_30 : vector<8x352xi32>
    %jit3A_32 = arith.constant 3.000000e+00 : f32
    %broadcast_in_dim3A_33 = vector.broadcast %jit3A_32 : f32 to vector<8x352xf32>
    %select_n3A_34 = arith.select %eq3A_31, %broadcast_in_dim3A_33, %mul3A_29 : vector<8x352xi1>, vector<8x352xf32>
    %eq3A_35 = arith.constant 1 : i32
    %eq3A_36 = vector.broadcast %eq3A_35 : i32 to vector<8x352xi32>
    %eq3A_37 = arith.cmpi eq, %iota3A_26, %eq3A_36 : vector<8x352xi32>
    %jit3A_38 = arith.constant 6.000000e+00 : f32
    %broadcast_in_dim3A_39 = vector.broadcast %jit3A_38 : f32 to vector<8x352xf32>
    %select_n3A_40 = arith.select %eq3A_37, %broadcast_in_dim3A_39, %select_n3A_34 : vector<8x352xi1>, vector<8x352xf32>
    %eq3A_41 = arith.constant 344 : i32
    %eq3A_42 = vector.broadcast %eq3A_41 : i32 to vector<8x352xi32>
    %eq3A_43 = arith.cmpi eq, %iota3A_26, %eq3A_42 : vector<8x352xi32>
    %jit3A_44 = arith.constant 1.374000e+03 : f32
    %broadcast_in_dim3A_45 = vector.broadcast %jit3A_44 : f32 to vector<8x352xf32>
    %select_n3A_46 = arith.select %eq3A_43, %broadcast_in_dim3A_45, %select_n3A_40 : vector<8x352xi1>, vector<8x352xf32>
    %eq3A_47 = arith.constant 345 : i32
    %eq3A_48 = vector.broadcast %eq3A_47 : i32 to vector<8x352xi32>
    %eq3A_49 = arith.cmpi eq, %iota3A_26, %eq3A_48 : vector<8x352xi32>
    %jit3A_50 = arith.constant 1.032000e+03 : f32
    %broadcast_in_dim3A_51 = vector.broadcast %jit3A_50 : f32 to vector<8x352xf32>
    %select_n3A_52 = arith.select %eq3A_49, %broadcast_in_dim3A_51, %select_n3A_46 : vector<8x352xi1>, vector<8x352xf32>
    %ge3A = arith.constant 346 : i32
    %ge3A_53 = vector.broadcast %ge3A : i32 to vector<8x352xi32>
    %ge3A_54 = arith.cmpi sge, %iota3A_26, %ge3A_53 : vector<8x352xi32>
    %jit3A_55 = arith.constant 0.000000e+00 : f32
    %broadcast_in_dim3A_56 = vector.broadcast %jit3A_55 : f32 to vector<8x352xf32>
    %select_n3A_57 = arith.select %ge3A_54, %broadcast_in_dim3A_56, %select_n3A_52 : vector<8x352xi1>, vector<8x352xf32>
    %mul3A_58 = arith.mulf %reduce_sum3A_25, %select_n3A_57 : vector<8x352xf32>
    %reduce_sum3A_59 = arith.constant dense<0.000000e+00> : vector<8xf32>
    %reduce_sum3A_60 = vector.multi_reduction <add>, %mul3A_58, %reduce_sum3A_59 [1] : vector<8x352xf32> to vector<8xf32>
    %mul3A_61 = arith.constant 4.000000e-06 : f32
    %mul3A_62 = vector.broadcast %mul3A_61 : f32 to vector<8xf32>
    %mul3A_63 = arith.mulf %reduce_sum3A_60, %mul3A_62 : vector<8xf32>
    %sub3A_64 = arith.constant 1.730000e+02 : f32
    %sub3A_65 = vector.broadcast %sub3A_64 : f32 to vector<8xf32>
    %sub3A_66 = arith.subf %mul3A_63, %sub3A_65 : vector<8xf32>
    %round3A = math.roundeven %sub3A_66 : vector<8xf32>
    %get3A_67 = arith.constant 0 : index
    %get3A_68 = arith.constant 0 : index
    %get3A_69 = arith.constant 0 : index
    %get3A_70 = vector.load %arg1[%get3A_67, %get3A_68, %get3A_69] : memref<8x48x272xf32, #tpu.memory_space<vmem>>, vector<8x48x272xf32>
    %iota3A_71 = tpu.iota {dimensions = array<i32: 2>} : vector<8x48x272xi32>
    %lt3A_72 = arith.constant 260 : i32
    %lt3A_73 = vector.broadcast %lt3A_72 : i32 to vector<8x48x272xi32>
    %lt3A_74 = arith.cmpi slt, %iota3A_71, %lt3A_73 : vector<8x48x272xi32>
    %jit3A_75 = arith.constant 0.000000e+00 : f32
    %broadcast_in_dim3A_76 = vector.broadcast %jit3A_75 : f32 to vector<8x48x272xf32>
    %select_n3A_77 = arith.select %lt3A_74, %get3A_70, %broadcast_in_dim3A_76 : vector<8x48x272xi1>, vector<8x48x272xf32>
    %reduce_sum3A_78 = arith.constant dense<0.000000e+00> : vector<8xf32>
    %reduce_sum3A_79 = vector.multi_reduction <add>, %select_n3A_77, %reduce_sum3A_78 [1, 2] : vector<8x48x272xf32> to vector<8xf32>
    %mul3A_80 = arith.mulf %select_n3A_77, %select_n3A_77 : vector<8x48x272xf32>
    %reduce_sum3A_81 = arith.constant dense<0.000000e+00> : vector<8xf32>
    %reduce_sum3A_82 = vector.multi_reduction <add>, %mul3A_80, %reduce_sum3A_81 [1, 2] : vector<8x48x272xf32> to vector<8xf32>
    %div3A_83 = arith.constant 1.248000e+04 : f32
    %div3A_84 = vector.broadcast %div3A_83 : f32 to vector<8xf32>
    %div3A_85 = arith.divf %reduce_sum3A_79, %div3A_84 : vector<8xf32>
    %mul3A_86 = arith.mulf %reduce_sum3A_79, %reduce_sum3A_79 : vector<8xf32>
    %div3A_87 = arith.constant 1.248000e+04 : f32
    %div3A_88 = vector.broadcast %div3A_87 : f32 to vector<8xf32>
    %div3A_89 = arith.divf %mul3A_86, %div3A_88 : vector<8xf32>
    %sub3A_90 = arith.subf %reduce_sum3A_82, %div3A_89 : vector<8xf32>
    %div3A_91 = arith.constant 1.247900e+04 : f32
    %div3A_92 = vector.broadcast %div3A_91 : f32 to vector<8xf32>
    %div3A_93 = arith.divf %sub3A_90, %div3A_92 : vector<8xf32>
    %sqrt3A_94 = math.sqrt %div3A_93 : vector<8xf32>
    %mul3A_95 = arith.constant 3.000000e+00 : f32
    %mul3A_96 = vector.broadcast %mul3A_95 : f32 to vector<8xf32>
    %mul3A_97 = arith.mulf %mul3A_96, %sqrt3A_94 : vector<8xf32>
    %add3A_98 = arith.addf %div3A_85, %mul3A_97 : vector<8xf32>
    %slice3A_99 = vector.extract_strided_slice %select_n3A_77 {offsets = [0, 1, 0], sizes = [8, 5, 272], strides = [1, 1, 1]} : vector<8x48x272xf32> to vector<8x5x272xf32>
    %broadcast_in_dim3A_100 = vector.shape_cast %add3A_98 : vector<8xf32> to vector<8x1x1xf32>
    %jit3A_101 = arith.constant 0.000000e+00 : f32
    %max3A_102 = vector.broadcast %jit3A_101 : f32 to vector<8x5x272xf32>
    %max3A_103 = arith.maximumf %max3A_102, %slice3A_99 : vector<8x5x272xf32>
    %min3A_104 = vector.broadcast %broadcast_in_dim3A_100 : vector<8x1x1xf32> to vector<8x5x272xf32>
    %min3A_105 = arith.minimumf %min3A_104, %max3A_103 : vector<8x5x272xf32>
    %reduce_sum3A_106 = arith.constant dense<0.000000e+00> : vector<8x272xf32>
    %reduce_sum3A_107 = vector.multi_reduction <add>, %min3A_105, %reduce_sum3A_106 [1] : vector<8x5x272xf32> to vector<8x272xf32>
    %iota3A_108 = tpu.iota {dimensions = array<i32: 1>} : vector<8x272xi32>
    %convert_element_type3A_109 = arith.sitofp %iota3A_108 : vector<8x272xi32> to vector<8x272xf32>
    %mul3A_110 = arith.constant 5.000000e+00 : f32
    %mul3A_111 = vector.broadcast %mul3A_110 : f32 to vector<8x272xf32>
    %mul3A_112 = arith.mulf %mul3A_111, %convert_element_type3A_109 : vector<8x272xf32>
    %eq3A_113 = arith.constant 0 : i32
    %eq3A_114 = vector.broadcast %eq3A_113 : i32 to vector<8x272xi32>
    %eq3A_115 = arith.cmpi eq, %iota3A_108, %eq3A_114 : vector<8x272xi32>
    %jit3A_116 = arith.constant 3.000000e+00 : f32
    %broadcast_in_dim3A_117 = vector.broadcast %jit3A_116 : f32 to vector<8x272xf32>
    %select_n3A_118 = arith.select %eq3A_115, %broadcast_in_dim3A_117, %mul3A_112 : vector<8x272xi1>, vector<8x272xf32>
    %eq3A_119 = arith.constant 1 : i32
    %eq3A_120 = vector.broadcast %eq3A_119 : i32 to vector<8x272xi32>
    %eq3A_121 = arith.cmpi eq, %iota3A_108, %eq3A_120 : vector<8x272xi32>
    %jit3A_122 = arith.constant 6.000000e+00 : f32
    %broadcast_in_dim3A_123 = vector.broadcast %jit3A_122 : f32 to vector<8x272xf32>
    %select_n3A_124 = arith.select %eq3A_121, %broadcast_in_dim3A_123, %select_n3A_118 : vector<8x272xi1>, vector<8x272xf32>
    %eq3A_125 = arith.constant 258 : i32
    %eq3A_126 = vector.broadcast %eq3A_125 : i32 to vector<8x272xi32>
    %eq3A_127 = arith.cmpi eq, %iota3A_108, %eq3A_126 : vector<8x272xi32>
    %jit3A_128 = arith.constant 1.030000e+03 : f32
    %broadcast_in_dim3A_129 = vector.broadcast %jit3A_128 : f32 to vector<8x272xf32>
    %select_n3A_130 = arith.select %eq3A_127, %broadcast_in_dim3A_129, %select_n3A_124 : vector<8x272xi1>, vector<8x272xf32>
    %eq3A_131 = arith.constant 259 : i32
    %eq3A_132 = vector.broadcast %eq3A_131 : i32 to vector<8x272xi32>
    %eq3A_133 = arith.cmpi eq, %iota3A_108, %eq3A_132 : vector<8x272xi32>
    %jit3A_134 = arith.constant 7.740000e+02 : f32
    %broadcast_in_dim3A_135 = vector.broadcast %jit3A_134 : f32 to vector<8x272xf32>
    %select_n3A_136 = arith.select %eq3A_133, %broadcast_in_dim3A_135, %select_n3A_130 : vector<8x272xi1>, vector<8x272xf32>
    %ge3A_137 = arith.constant 260 : i32
    %ge3A_138 = vector.broadcast %ge3A_137 : i32 to vector<8x272xi32>
    %ge3A_139 = arith.cmpi sge, %iota3A_108, %ge3A_138 : vector<8x272xi32>
    %jit3A_140 = arith.constant 0.000000e+00 : f32
    %broadcast_in_dim3A_141 = vector.broadcast %jit3A_140 : f32 to vector<8x272xf32>
    %select_n3A_142 = arith.select %ge3A_139, %broadcast_in_dim3A_141, %select_n3A_136 : vector<8x272xi1>, vector<8x272xf32>
    %mul3A_143 = arith.mulf %reduce_sum3A_107, %select_n3A_142 : vector<8x272xf32>
    %reduce_sum3A_144 = arith.constant dense<0.000000e+00> : vector<8xf32>
    %reduce_sum3A_145 = vector.multi_reduction <add>, %mul3A_143, %reduce_sum3A_144 [1] : vector<8x272xf32> to vector<8xf32>
    %mul3A_146 = arith.constant 4.000000e-06 : f32
    %mul3A_147 = vector.broadcast %mul3A_146 : f32 to vector<8xf32>
    %mul3A_148 = arith.mulf %reduce_sum3A_145, %mul3A_147 : vector<8xf32>
    %sub3A_149 = arith.constant 1.300000e+02 : f32
    %sub3A_150 = vector.broadcast %sub3A_149 : f32 to vector<8xf32>
    %sub3A_151 = arith.subf %mul3A_148, %sub3A_150 : vector<8xf32>
    %round3A_152 = math.roundeven %sub3A_151 : vector<8xf32>
    %get3A_153 = arith.constant 0 : index
    %get3A_154 = arith.constant 0 : index
    %get3A_155 = arith.constant 0 : index
    %get3A_156 = vector.load %arg2[%get3A_153, %get3A_154, %get3A_155] : memref<3x8x2048xf32, #tpu.memory_space<vmem>>, vector<1x8x2048xf32>
    %get3A_157 = vector.shape_cast %get3A_156 : vector<1x8x2048xf32> to vector<8x2048xf32>
    %broadcast_in_dim3A_158 = vector.shape_cast %round3A : vector<8xf32> to vector<8x1xf32>
    %sub3A_159 = vector.broadcast %broadcast_in_dim3A_158 : vector<8x1xf32> to vector<8x2048xf32>
    %sub3A_160 = arith.subf %get3A_157, %sub3A_159 : vector<8x2048xf32>
    %jit3A_161 = arith.constant 0.000000e+00 : f32
    %jit3A_162 = arith.constant 3.450000e+02 : f32
    %max3A_163 = vector.broadcast %jit3A_161 : f32 to vector<8x2048xf32>
    %max3A_164 = arith.maximumf %max3A_163, %sub3A_160 : vector<8x2048xf32>
    %min3A_165 = vector.broadcast %jit3A_162 : f32 to vector<8x2048xf32>
    %min3A_166 = arith.minimumf %min3A_165, %max3A_164 : vector<8x2048xf32>
    %mul3A_167 = arith.constant 0.00289017335 : f32
    %mul3A_168 = vector.broadcast %mul3A_167 : f32 to vector<8x2048xf32>
    %mul3A_169 = arith.mulf %min3A_166, %mul3A_168 : vector<8x2048xf32>
    %get3A_170 = arith.constant 1 : index
    %get3A_171 = arith.constant 0 : index
    %get3A_172 = arith.constant 0 : index
    %get3A_173 = vector.load %arg2[%get3A_170, %get3A_171, %get3A_172] : memref<3x8x2048xf32, #tpu.memory_space<vmem>>, vector<1x8x2048xf32>
    %get3A_174 = vector.shape_cast %get3A_173 : vector<1x8x2048xf32> to vector<8x2048xf32>
    %broadcast_in_dim3A_175 = vector.shape_cast %round3A_152 : vector<8xf32> to vector<8x1xf32>
    %sub3A_176 = vector.broadcast %broadcast_in_dim3A_175 : vector<8x1xf32> to vector<8x2048xf32>
    %sub3A_177 = arith.subf %get3A_174, %sub3A_176 : vector<8x2048xf32>
    %jit3A_178 = arith.constant 0.000000e+00 : f32
    %jit3A_179 = arith.constant 2.590000e+02 : f32
    %max3A_180 = vector.broadcast %jit3A_178 : f32 to vector<8x2048xf32>
    %max3A_181 = arith.maximumf %max3A_180, %sub3A_177 : vector<8x2048xf32>
    %min3A_182 = vector.broadcast %jit3A_179 : f32 to vector<8x2048xf32>
    %min3A_183 = arith.minimumf %min3A_182, %max3A_181 : vector<8x2048xf32>
    %mul3A_184 = arith.constant 0.00384615385 : f32
    %mul3A_185 = vector.broadcast %mul3A_184 : f32 to vector<8x2048xf32>
    %mul3A_186 = arith.mulf %min3A_183, %mul3A_185 : vector<8x2048xf32>
    %get3A_187 = arith.constant 2 : index
    %get3A_188 = arith.constant 0 : index
    %get3A_189 = arith.constant 0 : index
    %get3A_190 = vector.load %arg2[%get3A_187, %get3A_188, %get3A_189] : memref<3x8x2048xf32, #tpu.memory_space<vmem>>, vector<1x8x2048xf32>
    %get3A_191 = vector.shape_cast %get3A_190 : vector<1x8x2048xf32> to vector<8x2048xf32>
    %reduce_max3A = arith.constant dense<0xFF800000> : vector<8xf32>
    %reduce_max3A_192 = vector.multi_reduction <maximumf>, %get3A_191, %reduce_max3A [1] : vector<8x2048xf32> to vector<8xf32>
    %broadcast_in_dim3A_193 = vector.shape_cast %reduce_max3A_192 : vector<8xf32> to vector<8x1xf32>
    %div3A_194 = vector.broadcast %broadcast_in_dim3A_193 : vector<8x1xf32> to vector<8x2048xf32>
    %div3A_195 = arith.divf %get3A_191, %div3A_194 : vector<8x2048xf32>
    %stack3A = vector.shape_cast %mul3A_169 : vector<8x2048xf32> to vector<8x1x2048xf32>
    %stack3A_196 = vector.shape_cast %mul3A_186 : vector<8x2048xf32> to vector<8x1x2048xf32>
    %stack3A_197 = vector.shape_cast %div3A_195 : vector<8x2048xf32> to vector<8x1x2048xf32>
    %stack3A_198 = tpu.concatenate %stack3A, %stack3A_196, %stack3A_197 in 1 : vector<8x1x2048xf32>, vector<8x1x2048xf32>, vector<8x1x2048xf32> -> vector<8x3x2048xf32>
    %swap3A = arith.constant 0 : index
    %swap3A_199 = arith.constant 0 : index
    %swap3A_200 = arith.constant 0 : index
    %swap3A_201 = vector.load %arg3[%swap3A, %swap3A_199, %swap3A_200] : memref<8x3x2048xf32, #tpu.memory_space<vmem>>, vector<8x3x2048xf32>
    tpu.vector_store %arg3[%swap3A, %swap3A_199, %swap3A_200], %stack3A_198 {strides = array<i32>} : memref<8x3x2048xf32, #tpu.memory_space<vmem>>, vector<8x3x2048xf32>,
    return
  }
}

</mosaic_0001>

<sc_bundles>
// kernel: kernel.4.cloned.1.call-start
scs
__scs_entry_jumppad:
0x0: {  	(pc) =	sbr.rel $0x88, $3  }
0x1: {  	(tag) =	ssettag $0x0;
	lr =	simm.s32 $0x1  }
0x2: {  	[smem:$0x3FA0] =	sst lr;
	_ =	strace $0xD0000000  }
0x3: {  	_ = 	snop  }
0x4: {  	_ = 	snop  }
0x5: {  	_ = 	snop  }
0x6: {  	_ = 	snop  }
0x7: {  	_ = 	snop  }
__scs_overlays_trampoline_lowered:
0x8: {  	[smem:$0x3FAF] =	sst s0  }
0x9: {  	[smem:$0x3FB0] =	sst s1  }
0xa: {  	[smem:$0x3FB1] =	sst s2  }
0xb: {  	[smem:$0x3FB2] =	sst s3  }
0xc: {  	[smem:$0x3FB3] =	sst s4  }
0xd: {  	[smem:$0x3FB4] =	sst s5  }
0xe: {  	[smem:$0x3FB5] =	sst s6  }
0xf: {  	[smem:$0x3FB6] =	sst s7  }
0x10: {  	[smem:$0x3FB7] =	sst s8  }
0x11: {  	[smem:$0x3FB8] =	sst s9;
	s0 =	simm.s32 @!p0 $0x0  }
0x12: {  	s1 =	sld [smem:$0x3F9E];
	s0 =	simm.s32 @p0 $0x1  }
0x13: {  	[smem:$0x3FB9] =	sst s0;
	s0 =	simm.s32 @!p1 $0x0  }
0x14: {  	s2 =	sld [smem:$0x3F9D];
	s0 =	simm.s32 @p1 $0x1  }
0x15: {  	[smem:$0x3FBA] =	sst s0;
	s0 =	simm.s32 @!p2 $0x0  }
0x16: {  	s3 =	sld [smem:$0x3FDB];
	s0 =	simm.s32 @p2 $0x1  }
0x17: {  	s4 =	simm.s32 $0x1BF5;
	[smem:$0x3FBC] =	sst s0  }
0x18: {  	s0 =	sld [smem:$0x3F9F];
	_ =	swait.ge [sflag:s4], $0x0  }
0x19: {  	s7 =	sld [smem:$0x3FA0]  }
0x1a: {  	s8 =	sadd.s32 $0xFFFFE003, lr  }
0x1b: {  	s9 =	sadd.s32 $0xFFFFFEF7, lr;
	s5 =	simm.s32 $0xFFFFFFFF;
	p2 =	slt.u32 s8, $0xFFFFF086  }
0x1c: {  	p1 =	slt.u32 s9, $0xF7A;
	s5 =	simm.s32 @!p2 $0x0  }
0x1d: {  	s5 =	simm.s32 @p1 $0x1;
	p0 =	seq.s32 s7, s2  }
0x1e: {  	s7 =	smul.u32 @!p0 $0xF7A, s2;
	p2 =	seq.s32 @!p0 s5, $0x0  }
0x1f: {  	s9 =	smul.u32 $0xF7A, s1;
	s8 =	simm.s32 @!p0 $0x1BF5;
	p2 =	por !p2, p0  }
0x20: {  	[sflag:s8] =	ssyncset.s32 @!p0 $0xFFFFF086;
	s6 =	sadd.s32 @!p0 s3, s7;
	s7 =	simm.s32 @!p0 $0x108  }
0x21: {  	s3 =	sadd.s32 s3, s9;
	s6 =	sadd.s32 @!p0 $0x88, s6;
	s7 =	simm.s32 @p2 $0x1082  }
0x22: {  	[simem:s7], [sflag:s8] =	dma.local @!p0 [hbm:s6], $0xF7A  }
0x23: {  	s9 =	sor.u32 $0xD0000000, s2;
	s6 =	simm.s32 $0x108;
	_ =	swait.ge @!p0 [sflag:s8], $0x0  }
0x24: {  	s3 =	sadd.s32 $0x88, s3;
	s6 =	simm.s32 @!p1 $0x1082;
	[sflag:s4] =	ssyncset.s32 $0xFFFFF086  }
0x25: {  	[simem:s6], [sflag:s4] =	dma.local [hbm:s3], $0xF7A  }
0x26: {  	[smem:$0x3FA0] =	sst s1;
	(tag) =	ssettag s2;
	_ =	strace s9  }
0x27: {  	s1 =	sld [smem:$0x3FB0]  }
0x28: {  	s2 =	sld [smem:$0x3FB1]  }
0x29: {  	s4 =	sld [smem:$0x3FB3]  }
0x2a: {  	p0 =	seq.s32 s5, $0x0;
	s5 =	sld [smem:$0x3FB4]  }
0x2b: {  	s6 =	sld [smem:$0x3FB5]  }
0x2c: {  	s7 =	sld [smem:$0x3FB6]  }
0x2d: {  	s3 =	simm.s32 $0x108;
	s8 =	sld [smem:$0x3FB7]  }
0x2e: {  	s3 =	simm.s32 @!p0 $0x1082;
	s9 =	sld [smem:$0x3FB8]  }
0x2f: {  	lr =	sadd.s32 s0, s3;
	s0 =	sld [smem:$0x3FAF]  }
0x30: {  	s3 =	sld [smem:$0x3FB2]  }
0x31: {  	[smem:$0x3FBB] =	sst s10  }
0x32: {  	s10 =	sld [smem:$0x3FB9];
	_ =	sdelay $0x3  }
0x33: {  	p0 =	seq.s32 s10, $0x1;
	s10 =	sld [smem:$0x3FBB];
	_ =	sdelay $0x3  }
0x34: {  	[smem:$0x3FBB] =	sst s10  }
0x35: {  	s10 =	sld [smem:$0x3FBA];
	_ =	sdelay $0x3  }
0x36: {  	p1 =	seq.s32 s10, $0x1;
	s10 =	sld [smem:$0x3FBB];
	_ =	sdelay $0x3  }
0x37: {  	[smem:$0x3FBB] =	sst s10  }
0x38: {  	s10 =	sld [smem:$0x3FBC]  }
0x39: {  	_ = 	snop;
	(pc) =	sbr.ind lr, $3  }
0x3a: {  	_ = 	snop  }
0x3b: {  	_ = 	snop  }
0x3c: {  	p2 =	seq.s32 s10, $0x1;
	s10 =	sld [smem:$0x3FBB]  }
0x3d: {  	_ =	shalt  }
0x3e: {  	_ =	shalt  }
0x3f: {  	_ =	shalt  }
0x40: {  	_ =	shalt  }
0x41: {  	_ =	shalt  }
0x42: {  	_ =	shalt  }
0x43: {  	_ =	shalt  }
0x44: {  	_ =	shalt  }
0x45: {  	_ =	shalt  }
0x46: {  	_ =	shalt  }
0x47: {  	_ =	shalt  }
0x48: {  	_ =	shalt  }
0x49: {  	_ =	shalt  }
0x4a: {  	_ =	shalt  }
0x4b: {  	_ =	shalt  }
0x4c: {  	_ =	shalt  }
0x4d: {  	_ =	shalt  }
0x4e: {  	_ =	shalt  }
0x4f: {  	_ =	shalt  }
0x50: {  	_ =	shalt  }
0x51: {  	_ =	shalt  }
0x52: {  	_ =	shalt  }
0x53: {  	_ =	shalt  }
0x54: {  	_ =	shalt  }
0x55: {  	_ =	shalt  }
0x56: {  	_ =	shalt  }
0x57: {  	_ =	shalt  }
0x58: {  	_ =	shalt  }
0x59: {  	_ =	shalt  }
0x5a: {  	_ =	shalt  }
0x5b: {  	_ =	shalt  }
0x5c: {  	_ =	shalt  }
0x5d: {  	_ =	shalt  }
0x5e: {  	_ =	shalt  }
0x5f: {  	_ =	shalt  }
0x60: {  	_ =	shalt  }
0x61: {  	_ =	shalt  }
0x62: {  	_ =	shalt  }
0x63: {  	_ =	shalt  }
0x64: {  	_ =	shalt  }
0x65: {  	_ =	shalt  }
0x66: {  	_ =	shalt  }
0x67: {  	_ =	shalt  }
0x68: {  	_ =	shalt  }
0x69: {  	_ =	shalt  }
0x6a: {  	_ =	shalt  }
0x6b: {  	_ =	shalt  }
0x6c: {  	_ =	shalt  }
0x6d: {  	_ =	shalt  }
0x6e: {  	_ =	shalt  }
0x6f: {  	_ =	shalt  }
0x70: {  	_ =	shalt  }
0x71: {  	_ =	shalt  }
0x72: {  	_ =	shalt  }
0x73: {  	_ =	shalt  }
0x74: {  	_ =	shalt  }
0x75: {  	_ =	shalt  }
0x76: {  	_ =	shalt  }
0x77: {  	_ =	shalt  }
0x78: {  	_ =	shalt  }
0x79: {  	_ =	shalt  }
0x7a: {  	_ =	shalt  }
0x7b: {  	_ =	shalt  }
0x7c: {  	_ =	shalt  }
0x7d: {  	_ =	shalt  }
0x7e: {  	_ =	shalt  }
0x7f: {  	_ =	shalt  }
0x80: {  	_ =	shalt  }
0x81: {  	_ =	shalt  }
0x82: {  	_ =	shalt  }
0x83: {  	_ =	shalt  }
0x84: {  	_ =	shalt  }
0x85: {  	_ =	shalt  }
0x86: {  	_ =	shalt  }
0x87: {  	_ =	shalt  }
.Lfunc_end0:
.L_simem_size_0:
called_computation_lowered:
.L_overlay_start_0:
0x88: {  	s2 =	sld [smem:$0x3FD9]  }
0x89: {  	s3 =	sld [smem:$0x3FFE];
	_ =	sdelay $0x1  }
0x8a: {  	s1 =	srdreg.scid  }
0x8b: {  	s0 =	sand.u32 $0x1, s1  }
0x8c: {  	s16 =	sshll.u32 s0, $0xA;
	s2 =	sadd.s32 s3, s2  }
0x8d: {  	s2 =	sadd.s32 s2, s16  }
0x8e: {  	[smem:$0x3FC7] =	sst s2  }
0x8f: {  	_ = 	snop  }
0x90: {  	(tm) =	ssettm $0x1  }
0x91: {  	s17 =	sld [smem:$0x3FFB];
	_ =	sdelay $0x3  }
0x92: {  	_ =	strace s17  }
0x93: {  	s2 =	sld [smem:$0x3FFC];
	_ =	sdelay $0x3  }
0x94: {  	_ =	strace s2  }
0x95: {  	s2 =	sld [smem:$0x3FFD];
	_ =	sdelay $0x3  }
0x96: {  	_ =	strace s2  }
0x97: {  	_ =	strace $0x8FFFFFFF  }
0x98: {  	s18 =	sld [smem:$0x3FDB];
	_ =	sdelay $0x1  }
0x99: {  	s19 =	simm.s32 $_scs_section_size  }
0x9a: {  	s4 =	simm.s32 $_size__tile_overlayer_lowered;
	s5 =	simm.s32 $_tile_overlayer_lowered  }
0x9b: {  	s22 =	simm.s32 $0x1BFF;
	s21 =	sshll.u32 s5, $0x1;
	s2 =	sadd.s32 s19, s18  }
0x9c: {  	s6 =	simm.s32 $0x0;
	s20 =	sshll.u32 s4, $0x1;
	s4 =	sadd.s32 s21, s2  }
0x9d: {  	[timem:s6], [sflag:s22] =	dma.local [hbm:s4], s20  }
0x9e: {  	_ =	swait.ge [sflag:s22], s20  }
0x9f: {  	s3 =	ssub.s32 $0x0, s20;
	[sflag:s22] =	ssyncset.done $0x0  }
0xa0: {  	[sflag:s22] =	ssyncadd.s32 s3;
	_ =	sdelay $0x1  }
0xa1: {  	s23 =	simm.s32 $0x1B8B  }
0xa2: {  	_ =	swait.ge [sflag:s23], $0x1  }
0xa3: {  	[sflag:s23] =	ssyncset.done $0x0  }
0xa4: {  	s25 =	simm.s32 $0x1B8E;
	s24 =	sld [smem:$0x3FFE];
	[sflag:s23] =	ssyncadd.s32 $0xFFFFFFFF  }
0xa5: {  	s26 =	simm.s32 $execute0_lowered;
	[smem:$0x3FD2] =	sst s25  }
0xa6: {  	s4 =	sshll.u32 s26, $0x1;
	_ =	strace $0x80000046;
	[dreg:$0x1] =	wrdreg $0xFFFFFFFF  }
0xa7: {  	s28 =	simm.s32 $_size_execute0_lowered;
	s2 =	sadd.s32 s2, s4;
	[dreg:$0x0] =	wrdreg $0x0  }
0xa8: {  	s4 =	sshll.u32 s28, $0x1;
	[dreg:$0x2] =	wrdreg s2  }
0xa9: {  	[dreg:$0x3] =	wrdreg s4  }
0xaa: {  	[dreg:$0x4] =	wrdreg $0xC0  }
0xab: {  	_ =	task [dreg:s6], $0x5FFFF  }
0xac: {  	[dreg:$0x1] =	wrdreg $0xFFFFFFFF  }
0xad: {  	[dreg:$0x0] =	wrdreg $0x60  }
0xae: {  	[dreg:$0x2] =	wrdreg s24  }
0xaf: {  	[dreg:$0x3] =	wrdreg $0x9  }
0xb0: {  	_ =	task.clear_ibuf [dreg:s6], $0x4FFFF;
	_ =	strace $0x90000046  }
0xb1: {  	s29 =	simm.s32 $0x9;
	_ =	strace $0x80000048  }
0xb2: {  	_ =	swait.ge [sflag:s29], $0x1  }
0xb3: {  	[sflag:s29] =	ssyncadd.s32 $0xFFFFFFFF  }
0xb4: {  	_ =	strace $0x90000048  }
0xb5: {  	_ =	sfence  }
0xb6: {  	s30 =	sld [smem:$0x0];
	_ =	sdelay $0x2  }
0xb7: {  	s31 =	sshll.u32 s1, $0xD;
	s1 =	sshrl.u32 s1, $0x2  }
0xb8: {  	s3 =	sand.u32 $0x4000, s31;
	s1 =	sadd.s32 s1, s30  }
0xb9: {  	s0 =	sor.u32 s3, s0;
	s1 =	sshll.u32 s1, $0x11  }
0xba: {  	s0 =	sor.u32 s1, s0  }
0xbb: {  	s0 =	sadd.s32 $0x8F2B, s0  }
0xbc: {  	[sflag:s0] =	ssyncadd.remote.s32 $0x1  }
0xbd: {  	_ =	sfence.sel $0xFFFF  }
0xbe: {  	[dreg:$0x0] =	wrdreg $0xFFFFFFFF;
	(pc) =	sbr.abs _section_cstart, $3  }
0xbf: {  	[dreg:$0x1] =	wrdreg $0xFFFFFFFF  }
0xc0: {  	_ =	task.clear_ibuf [dreg:s6], $0x2FFFF;
	_ =	strace $0x9FFFFFFF  }
0xc1: {  	(tm) =	ssettm $0x7FFFFFFF  }
tec
execute0_lowered:
.L_overlay_start_1:
0x0: {  	(tag) =	ssettag $0x1  }
0x1: {  	s1 =	srdreg.scid;
	s0 =	stileid.u32  }
0x2: {  	s5 =	sand.u32 $0x1, s1;
	s28 =	sshll.u32 s0, $0x1  }
0x3: {  	s1 =	sor.u32 s5, s28  }
0x4: {  	s6 =	rddreg [dreg:$0x0];
	s3 =	smul.u32 $0x4008, s1  }
0x5: {  	s10 =	simm.s32 $0x1;
	s11 =	simm.s32 $0x2710;
	s12 =	simm.s32 $0x4E20  }
0x6: {  	s13 =	simm.s32 $0x4F80;
	s2 =	smul.u32 $0xC, s1;
	s29 =	sshrl.u32 s3, $0x10  }
0x7: {  	s14 =	simm.s32 $0x2;
	s15 =	simm.s32 $0x5090;
	s3 =	smul.u32 $0x30, s29  }
0x8: {  	s16 =	simm.s32 $0x51F0;
	s17 =	simm.s32 $0x3;
	s18 =	simm.s32 $0x4  }
0x9: {  	s19 =	simm.s32 $0x0;
	s4 =	sshrl.u32 s0, $0x1;
	s7 =	ssub.s32 s2, s3  }
0xa: {  	s8 =	smul.u32 $0x75300, s4;
	s4 =	sadd.s32 $0x800, s6;
	s30 =	sand.u32 $0xFFFC, s7  }
0xb: {  	s9 =	ssub.s32 $0x2, s5;
	s5 =	sadd.s32 $0x79000, s6;
	s7 =	smul.u32 $0x2710, s30  }
0xc: {  	s6 =	sadd.s32 $0x75C00, s6;
	s1 =	rddreg [dreg:$0x1];
	s31 =	sshrl.u32 s9, $0x1  }
0xd: {  	s9 =	ssub.s32 s9, s31;
	s3 =	simm.s32 $0x0;
	s7 =	sadd.s32 s8, s7  }
0xe: {  	s9 =	smax.u32 s9, $0x1;
	[smem:$0x7FF] =	sst s3;
	s7 =	sshrl.u32 s7, $0x3  }
0xf: {  	v0 =	vimm.f32 $0.0e+00;
	v1 =	vimm.f32 $1.000000000e+00;
	_ =	strace $0x80000047;
	s8 =	sor.u32 $0x2, s2;
	s7 =	sadd.s32 s4, s7  }
.LBB2_1:
0x10: {  	[tilespmem:s3], [sflag:$0x1] =	stream.linear.gather [hbm4b:s7+s3], $0x2710, $0x38;
	[tilespmem:$0x5300] =	vst v63  }
0x11: {  	s20 =	simm.s32 $0x0  }
.LBB2_2:
0x12: {  	s23 =	sshll.u32 s20, $0x1  }
0x13: {  	s26 =	sadd.s32 s2, s23  }
0x14: {  	s22 =	sadd.s32 $0x1, s26  }
0x15: {  	s21 =	smulhi.u32 $0x2AAAAAAB, s22;
	_ =	sdelay $0x1  }
0x16: {  	s21 =	sshrl.u32 s21, $0x3  }
0x17: {  	s24 =	smul.u32 $0x30, s21;
	_ =	sdelay $0x1  }
0x18: {  	s29 =	smul.u32 $0x75300, s21;
	s22 =	ssub.s32 s22, s24  }
0x19: {  	s25 =	smul.u32 $0x2710, s22;
	_ =	sdelay $0x1  }
0x1a: {  	_ =	swait.ge [sflag:s10], $0x2710;
	s24 =	sadd.s32 s25, s29  }
0x1b: {  	[sflag:s10] =	ssyncset.done $0x0;
	s24 =	sshrl.u32 s24, $0x3  }
0x1c: {  	p0 =	seq.s32 s20, $0x0;
	[sflag:s10] =	ssyncadd.s32 $0xFFFFD8F0;
	s24 =	sadd.s32 s4, s24  }
0x1d: {  	[tilespmem:s11], [sflag:$0x2] =	stream.linear.gather [hbm4b:s24+s3], $0x2710, $0x38;
	[tilespmem:$0x5300] =	vst v63  }
0x1e: {  	s24 =	simm.s32 @!p0 $0x3  }
0x1f: {  	_ =	swait.ge @!p0 [sflag:s24], $0x160  }
0x20: {  	[sflag:s24] =	ssyncset.done @!p0 $0x0  }
0x21: {  	[sflag:s24] =	ssyncadd.s32 @!p0 $0xFFFFFEA0  }
0x22: {  	_ =	swait.ge @!p0 [sflag:s24], $0x110  }
0x23: {  	[sflag:s24] =	ssyncset.done @!p0 $0x0  }
0x24: {  	[sflag:s24] =	ssyncadd.s32 @!p0 $0xFFFFFEF0  }
0x25: {  	[tilespmem:$0x4E20] =	vst v0  }
0x26: {  	[tilespmem:$0x4E30] =	vst v0  }
0x27: {  	[tilespmem:$0x4E40] =	vst v0  }
0x28: {  	[tilespmem:$0x4E50] =	vst v0  }
0x29: {  	[tilespmem:$0x4E60] =	vst v0  }
0x2a: {  	[tilespmem:$0x4E70] =	vst v0  }
0x2b: {  	[tilespmem:$0x4E80] =	vst v0  }
0x2c: {  	[tilespmem:$0x4E90] =	vst v0  }
0x2d: {  	[tilespmem:$0x4EA0] =	vst v0  }
0x2e: {  	[tilespmem:$0x4EB0] =	vst v0  }
0x2f: {  	[tilespmem:$0x4EC0] =	vst v0  }
0x30: {  	[tilespmem:$0x4ED0] =	vst v0  }
0x31: {  	[tilespmem:$0x4EE0] =	vst v0  }
0x32: {  	[tilespmem:$0x4EF0] =	vst v0  }
0x33: {  	[tilespmem:$0x4F00] =	vst v0  }
0x34: {  	[tilespmem:$0x4F10] =	vst v0  }
0x35: {  	[tilespmem:$0x4F20] =	vst v0  }
0x36: {  	[tilespmem:$0x4F30] =	vst v0  }
0x37: {  	[tilespmem:$0x4F40] =	vst v0  }
0x38: {  	[tilespmem:$0x4F50] =	vst v0  }
0x39: {  	[tilespmem:$0x4F60] =	vst v0  }
0x3a: {  	[tilespmem:$0x4F70] =	vst v0  }
0x3b: {  	[tilespmem:$0x4F80] =	vst v0  }
0x3c: {  	[tilespmem:$0x4F90] =	vst v0  }
0x3d: {  	[tilespmem:$0x4FA0] =	vst v0  }
0x3e: {  	[tilespmem:$0x4FB0] =	vst v0  }
0x3f: {  	[tilespmem:$0x4FC0] =	vst v0  }
0x40: {  	[tilespmem:$0x4FD0] =	vst v0  }
0x41: {  	[tilespmem:$0x4FE0] =	vst v0  }
0x42: {  	[tilespmem:$0x4FF0] =	vst v0  }
0x43: {  	[tilespmem:$0x5000] =	vst v0  }
0x44: {  	[tilespmem:$0x5010] =	vst v0  }
0x45: {  	[tilespmem:$0x5020] =	vst v0  }
0x46: {  	[tilespmem:$0x5030] =	vst v0  }
0x47: {  	[tilespmem:$0x5040] =	vst v0  }
0x48: {  	[tilespmem:$0x5050] =	vst v0  }
0x49: {  	[tilespmem:$0x5060] =	vst v0  }
0x4a: {  	[tilespmem:$0x5070] =	vst v0  }
0x4b: {  	s25 =	simm.s32 $0x50;
	[tilespmem:$0x5080] =	vst v0  }
0x4c: {  	v2 =	vld [tilespmem:s25+$0xFFFFFFB0]  }
0x4d: {  	v3 =	vld [tilespmem:s25+$0x40]  }
0x4e: {  	v4 =	vld [tilespmem:s25+$0x30]  }
0x4f: {  	v5 =	vld [tilespmem:s25+$0x20]  }
0x50: {  	v6 =	vld [tilespmem:s25+$0x10]  }
0x51: {  	v8 =	vld [tilespmem:s25+$0x0];
	v7 =	vand.u32 $0x1FF, v2  }
0x52: {  	v9 =	vld [tilespmem:s25+$0xFFFFFFF0];
	v10 =	vand.u32 $0x1FF, v3  }
0x53: {  	v11 =	vld [tilespmem:s25+$0xFFFFFFE0];
	v13 =	vand.u32 $0x1FF, v4  }
0x54: {  	v12 =	vld [tilespmem:s25+$0xFFFFFFD0];
	v15 =	vand.u32 $0x1FF, v5  }
0x55: {  	v14 =	vld [tilespmem:s25+$0xFFFFFFC0];
	v16 =	vand.u32 $0x1FF, v6  }
0x56: {  	v18 =	vand.u32 $0x1FF, v8;
	[tilespmem:v7+s12+$0x0] =	vst.idx.add.f32.msk $0xffff, v1  }
0x57: {  	v2 =	vshrl.u32 v2, $0x9;
	[tilespmem:v10+s12+$0x0] =	vst.idx.add.f32.msk $0xffff, v1  }
0x58: {  	v3 =	vshrl.u32 v3, $0x9;
	[tilespmem:v13+s12+$0x0] =	vst.idx.add.f32.msk $0xffff, v1  }
0x59: {  	v17 =	vshrl.u32 v5, $0x9;
	[tilespmem:v15+s12+$0x0] =	vst.idx.add.f32.msk $0xffff, v1  }
0x5a: {  	s31 =	smulhi.u32 $0x2AAAAAAB, s26;
	v7 =	vshrl.u32 v4, $0x9;
	[tilespmem:v16+s12+$0x0] =	vst.idx.add.f32.msk $0xffff, v1  }
0x5b: {  	v10 =	vshrl.u32 v8, $0x9;
	[tilespmem:v18+s12+$0x0] =	vst.idx.add.f32.msk $0xffff, v1  }
0x5c: {  	s24 =	sshrl.u32 s31, $0x3;
	v4 =	vshrl.u32 v6, $0x9;
	[tilespmem:v2+s13+$0x0] =	vst.idx.add.f32.msk $0xffff, v1  }
0x5d: {  	s28 =	smul.u32 $0x30, s24;
	v5 =	vand.u32 $0x1FF, v9;
	v6 =	vand.u32 $0x1FF, v11;
	[tilespmem:v3+s13+$0x0] =	vst.idx.add.f32.msk $0xffff, v1  }
0x5e: {  	v8 =	vand.u32 $0x1FF, v14;
	v11 =	vshrl.u32 v11, $0x9;
	v3 =	vshrl.u32 v9, $0x9;
	[tilespmem:v17+s13+$0x0] =	vst.idx.add.f32.msk $0xffff, v1  }
0x5f: {  	s30 =	simm.s32 $0x0;
	s26 =	ssub.s32 s26, s28;
	s28 =	simm.s32 $0x26C0;
	v2 =	vshrl.u32 v14, $0x9;
	v9 =	vshrl.u32 v12, $0x9;
	[tilespmem:v7+s13+$0x0] =	vst.idx.add.f32.msk $0xffff, v1;
	v7 =	vand.u32 $0x1FF, v12  }
.LBB2_3:
0x60: {  	s30 =	sadd.s32 $0xA0, s30;
	[tilespmem:v10+s13+$0x0] =	vst.idx.add.f32.msk $0xffff, v1;
	s25 =	sadd.s32 $0xA0, s25;
	s29 =	simm.s32 $0x26B0  }
0x61: {  	p0 =	slt.u32 s30, $0x2620;
	[tilespmem:v4+s13+$0x0] =	vst.idx.add.f32.msk $0xffff, v1  }
0x62: {  	[tilespmem:v5+s12+$0x0] =	vst.idx.add.f32.msk $0xffff, v1  }
0x63: {  	[tilespmem:v3+s13+$0x0] =	vst.idx.add.f32.msk $0xffff, v1  }
0x64: {  	[tilespmem:v6+s12+$0x0] =	vst.idx.add.f32.msk $0xffff, v1  }
0x65: {  	[tilespmem:v7+s12+$0x0] =	vst.idx.add.f32.msk $0xffff, v1  }
0x66: {  	[tilespmem:v11+s13+$0x0] =	vst.idx.add.f32.msk $0xffff, v1  }
0x67: {  	[tilespmem:v8+s12+$0x0] =	vst.idx.add.f32.msk $0xffff, v1  }
0x68: {  	[tilespmem:v9+s13+$0x0] =	vst.idx.add.f32.msk $0xffff, v1  }
0x69: {  	[tilespmem:v2+s13+$0x0] =	vst.idx.add.f32.msk $0xffff, v1  }
0x6a: {  	v2 =	vld [tilespmem:s25+$0xFFFFFFB0]  }
0x6b: {  	v3 =	vld [tilespmem:s25+$0x40]  }
0x6c: {  	v4 =	vld [tilespmem:s25+$0x30]  }
0x6d: {  	v5 =	vld [tilespmem:s25+$0x20]  }
0x6e: {  	v6 =	vld [tilespmem:s25+$0x10]  }
0x6f: {  	v7 =	vand.u32 $0x1FF, v2;
	v8 =	vld [tilespmem:s25+$0x0]  }
0x70: {  	v2 =	vshrl.u32 v2, $0x9;
	v9 =	vld [tilespmem:s25+$0xFFFFFFF0];
	v11 =	vand.u32 $0x1FF, v3  }
0x71: {  	v14 =	vshrl.u32 v3, $0x9;
	v12 =	vld [tilespmem:s25+$0xFFFFFFE0];
	v13 =	vand.u32 $0x1FF, v4  }
0x72: {  	v15 =	vld [tilespmem:s25+$0xFFFFFFD0];
	v16 =	vand.u32 $0x1FF, v5  }
0x73: {  	v20 =	vshrl.u32 v4, $0x9;
	v19 =	vshrl.u32 v5, $0x9;
	v17 =	vld [tilespmem:s25+$0xFFFFFFC0];
	v18 =	vand.u32 $0x1FF, v6  }
0x74: {  	v4 =	vshrl.u32 v6, $0x9;
	[tilespmem:v7+s12+$0x0] =	vst.idx.add.f32.msk $0xffff, v1;
	v21 =	vand.u32 $0x1FF, v8  }
0x75: {  	v10 =	vshrl.u32 v8, $0x9;
	v3 =	vshrl.u32 v9, $0x9;
	v5 =	vand.u32 $0x1FF, v9;
	[tilespmem:v11+s12+$0x0] =	vst.idx.add.f32.msk $0xffff, v1  }
0x76: {  	[tilespmem:v2+s13+$0x0] =	vst.idx.add.f32.msk $0xffff, v1;
	v6 =	vand.u32 $0x1FF, v12  }
0x77: {  	v7 =	vand.u32 $0x1FF, v15;
	[tilespmem:v14+s13+$0x0] =	vst.idx.add.f32.msk $0xffff, v1  }
0x78: {  	v2 =	vshrl.u32 v17, $0x9;
	v8 =	vand.u32 $0x1FF, v17;
	[tilespmem:v13+s12+$0x0] =	vst.idx.add.f32.msk $0xffff, v1  }
.Ltmp0:
0x79: {  	v9 =	vshrl.u32 v15, $0x9;
	[tilespmem:v16+s12+$0x0] =	vst.idx.add.f32.msk $0xffff, v1;
	(pc) =	sbr.rel @p0 .LBB2_3-.Ltmp0, $4  }
0x7a: {  	v11 =	vshrl.u32 v12, $0x9;
	[tilespmem:v20+s13+$0x0] =	vst.idx.add.f32.msk $0xffff, v1  }
0x7b: {  	[tilespmem:v18+s12+$0x0] =	vst.idx.add.f32.msk $0xffff, v1  }
0x7c: {  	[tilespmem:v19+s13+$0x0] =	vst.idx.add.f32.msk $0xffff, v1  }
0x7d: {  	[tilespmem:v21+s12+$0x0] =	vst.idx.add.f32.msk $0xffff, v1  }
0x7e: {  	_ =	sdelay $0x3  }
0x7f: {  	[tilespmem:v10+s13+$0x0] =	vst.idx.add.f32.msk $0xffff, v1  }
0x80: {  	[tilespmem:v4+s13+$0x0] =	vst.idx.add.f32.msk $0xffff, v1  }
0x81: {  	[tilespmem:v5+s12+$0x0] =	vst.idx.add.f32.msk $0xffff, v1  }
0x82: {  	[tilespmem:v6+s12+$0x0] =	vst.idx.add.f32.msk $0xffff, v1  }
0x83: {  	[tilespmem:v7+s12+$0x0] =	vst.idx.add.f32.msk $0xffff, v1  }
0x84: {  	[tilespmem:v8+s12+$0x0] =	vst.idx.add.f32.msk $0xffff, v1  }
0x85: {  	[tilespmem:v3+s13+$0x0] =	vst.idx.add.f32.msk $0xffff, v1  }
0x86: {  	[tilespmem:v11+s13+$0x0] =	vst.idx.add.f32.msk $0xffff, v1  }
0x87: {  	[tilespmem:v9+s13+$0x0] =	vst.idx.add.f32.msk $0xffff, v1  }
0x88: {  	[tilespmem:v2+s13+$0x0] =	vst.idx.add.f32.msk $0xffff, v1  }
.LBB2_5:
0x89: {  	v2 =	vld [tilespmem:s28+$0x0];
	_ =	sdelay $0x4  }
0x8a: {  	s29 =	sadd.s32 $0x10, s29;
	v3 =	vand.u32 $0x1FF, v2  }
0x8b: {  	p0 =	slt.u32 s29, $0x2700;
	v2 =	vshrl.u32 v2, $0x9  }
.Ltmp1:
0x8c: {  	_ = 	snop;
	(pc) =	sbr.rel @p0 .LBB2_5-.Ltmp1, $3  }
0x8d: {  	_ =	sdelay $0x1  }
0x8e: {  	[tilespmem:v3+s12+$0x0] =	vst.idx.add.f32.msk $0xffff, v1  }
0x8f: {  	s28 =	sadd.s32 $0x10, s28;
	[tilespmem:v2+s13+$0x0] =	vst.idx.add.f32.msk $0xffff, v1  }
0x90: {  	s25 =	smul.u32 $0x4200, s24  }
0x91: {  	s28 =	smul.u32 $0x160, s26  }
0x92: {  	s30 =	smul.u32 $0x3300, s24  }
0x93: {  	p0 =	seq.s32 s20, $0x5;
	s31 =	smul.u32 $0x110, s26;
	s25 =	sadd.s32 s28, s25  }
0x94: {  	s23 =	sadd.s32 @!p0 s23, s8;
	s25 =	sshrl.u32 s25, $0x3  }
0x95: {  	s26 =	smulhi.u32 @!p0 $0x2AAAAAAB, s23;
	s24 =	sadd.s32 s31, s30;
	s25 =	sadd.s32 s5, s25  }
0x96: {  	[hbm4b:s25+s3] =	stream.linear.scatter [tilespmem:s12], [sflag:$0x3], $0x160, $0x38;
	[tilespmem:$0x5300] =	vst v63  }
0x97: {  	s24 =	sshrl.u32 s24, $0x3;
	s25 =	sshrl.u32 @!p0 s26, $0x3  }
0x98: {  	s24 =	sadd.s32 s6, s24;
	s26 =	smul.u32 @!p0 $0x30, s25  }
0x99: {  	[hbm4b:s24+s3] =	stream.linear.scatter [tilespmem:s13], [sflag:$0x3], $0x110, $0x38;
	[tilespmem:$0x5300] =	vst v63  }
0x9a: {  	s24 =	smul.u32 @!p0 $0x75300, s25;
	s23 =	ssub.s32 @!p0 s23, s26  }
0x9b: {  	s23 =	smul.u32 @!p0 $0x2710, s23;
	_ =	sdelay $0x1  }
0x9c: {  	_ =	swait.ge [sflag:s14], $0x2710;
	s23 =	sadd.s32 @!p0 s23, s24  }
0x9d: {  	p1 =	seq.s32 @!p0 s20, $0x0;
	[sflag:s14] =	ssyncset.done $0x0;
	s23 =	sshrl.u32 @!p0 s23, $0x3  }
0x9e: {  	[sflag:s14] =	ssyncadd.s32 $0xFFFFD8F0;
	s24 =	simm.s32 @!p0 $0x0;
	s23 =	sadd.s32 @!p0 s4, s23  }
0x9f: {  	[tilespmem:s24], [sflag:$0x1] =	stream.linear.gather @!p0 [hbm4b:s23+s24], $0x2710, $0x38;
	[tilespmem:$0x5300] =	vst v63  }
0xa0: {  	p0 =	por p0, !p1  }
0xa1: {  	_ =	swait.ge @p0 [sflag:s18], $0x160  }
0xa2: {  	[sflag:s18] =	ssyncset.done @p0 $0x0  }
0xa3: {  	[sflag:s18] =	ssyncadd.s32 @p0 $0xFFFFFEA0  }
0xa4: {  	_ =	swait.ge @p0 [sflag:s18], $0x110  }
0xa5: {  	[sflag:s18] =	ssyncset.done @p0 $0x0  }
0xa6: {  	[sflag:s18] =	ssyncadd.s32 @p0 $0xFFFFFEF0  }
0xa7: {  	[tilespmem:$0x5090] =	vst v0  }
0xa8: {  	[tilespmem:$0x50A0] =	vst v0  }
0xa9: {  	[tilespmem:$0x50B0] =	vst v0  }
0xaa: {  	[tilespmem:$0x50C0] =	vst v0  }
0xab: {  	[tilespmem:$0x50D0] =	vst v0  }
0xac: {  	[tilespmem:$0x50E0] =	vst v0  }
0xad: {  	[tilespmem:$0x50F0] =	vst v0  }
0xae: {  	[tilespmem:$0x5100] =	vst v0  }
0xaf: {  	[tilespmem:$0x5110] =	vst v0  }
0xb0: {  	[tilespmem:$0x5120] =	vst v0  }
0xb1: {  	[tilespmem:$0x5130] =	vst v0  }
0xb2: {  	[tilespmem:$0x5140] =	vst v0  }
0xb3: {  	[tilespmem:$0x5150] =	vst v0  }
0xb4: {  	[tilespmem:$0x5160] =	vst v0  }
0xb5: {  	[tilespmem:$0x5170] =	vst v0  }
0xb6: {  	[tilespmem:$0x5180] =	vst v0  }
0xb7: {  	[tilespmem:$0x5190] =	vst v0  }
0xb8: {  	[tilespmem:$0x51A0] =	vst v0  }
0xb9: {  	[tilespmem:$0x51B0] =	vst v0  }
0xba: {  	[tilespmem:$0x51C0] =	vst v0  }
0xbb: {  	[tilespmem:$0x51D0] =	vst v0  }
0xbc: {  	[tilespmem:$0x51E0] =	vst v0  }
0xbd: {  	[tilespmem:$0x51F0] =	vst v0  }
0xbe: {  	[tilespmem:$0x5200] =	vst v0  }
0xbf: {  	[tilespmem:$0x5210] =	vst v0  }
0xc0: {  	[tilespmem:$0x5220] =	vst v0  }
0xc1: {  	[tilespmem:$0x5230] =	vst v0  }
0xc2: {  	[tilespmem:$0x5240] =	vst v0  }
0xc3: {  	[tilespmem:$0x5250] =	vst v0  }
0xc4: {  	[tilespmem:$0x5260] =	vst v0  }
0xc5: {  	[tilespmem:$0x5270] =	vst v0  }
0xc6: {  	[tilespmem:$0x5280] =	vst v0  }
0xc7: {  	[tilespmem:$0x5290] =	vst v0  }
0xc8: {  	[tilespmem:$0x52A0] =	vst v0  }
0xc9: {  	[tilespmem:$0x52B0] =	vst v0  }
0xca: {  	[tilespmem:$0x52C0] =	vst v0  }
0xcb: {  	[tilespmem:$0x52D0] =	vst v0  }
0xcc: {  	[tilespmem:$0x52E0] =	vst v0  }
0xcd: {  	s23 =	simm.s32 $0x2760;
	[tilespmem:$0x52F0] =	vst v0  }
0xce: {  	v2 =	vld [tilespmem:s23+$0xFFFFFFB0]  }
0xcf: {  	v3 =	vld [tilespmem:s23+$0x40]  }
0xd0: {  	v4 =	vld [tilespmem:s23+$0x30]  }
0xd1: {  	v5 =	vld [tilespmem:s23+$0x20]  }
0xd2: {  	v6 =	vld [tilespmem:s23+$0x10]  }
0xd3: {  	v8 =	vld [tilespmem:s23+$0x0];
	v7 =	vand.u32 $0x1FF, v2  }
0xd4: {  	v9 =	vld [tilespmem:s23+$0xFFFFFFF0];
	v10 =	vand.u32 $0x1FF, v3  }
0xd5: {  	v11 =	vld [tilespmem:s23+$0xFFFFFFE0];
	v13 =	vand.u32 $0x1FF, v4  }
0xd6: {  	v12 =	vld [tilespmem:s23+$0xFFFFFFD0];
	v15 =	vand.u32 $0x1FF, v5  }
0xd7: {  	v14 =	vld [tilespmem:s23+$0xFFFFFFC0];
	v16 =	vand.u32 $0x1FF, v6  }
0xd8: {  	v18 =	vand.u32 $0x1FF, v8;
	[tilespmem:v7+s15+$0x0] =	vst.idx.add.f32.msk $0xffff, v1  }
0xd9: {  	v2 =	vshrl.u32 v2, $0x9;
	[tilespmem:v10+s15+$0x0] =	vst.idx.add.f32.msk $0xffff, v1  }
0xda: {  	v3 =	vshrl.u32 v3, $0x9;
	[tilespmem:v13+s15+$0x0] =	vst.idx.add.f32.msk $0xffff, v1  }
0xdb: {  	v17 =	vshrl.u32 v5, $0x9;
	[tilespmem:v15+s15+$0x0] =	vst.idx.add.f32.msk $0xffff, v1  }
0xdc: {  	v7 =	vshrl.u32 v4, $0x9;
	[tilespmem:v16+s15+$0x0] =	vst.idx.add.f32.msk $0xffff, v1  }
0xdd: {  	v10 =	vshrl.u32 v8, $0x9;
	[tilespmem:v18+s15+$0x0] =	vst.idx.add.f32.msk $0xffff, v1  }
0xde: {  	v4 =	vshrl.u32 v6, $0x9;
	[tilespmem:v2+s16+$0x0] =	vst.idx.add.f32.msk $0xffff, v1  }
0xdf: {  	v5 =	vand.u32 $0x1FF, v9;
	v6 =	vand.u32 $0x1FF, v11;
	[tilespmem:v3+s16+$0x0] =	vst.idx.add.f32.msk $0xffff, v1  }
0xe0: {  	v8 =	vand.u32 $0x1FF, v14;
	v11 =	vshrl.u32 v11, $0x9;
	v3 =	vshrl.u32 v9, $0x9;
	[tilespmem:v17+s16+$0x0] =	vst.idx.add.f32.msk $0xffff, v1  }
0xe1: {  	s25 =	simm.s32 $0x0;
	s24 =	simm.s32 $0x4DD0;
	v2 =	vshrl.u32 v14, $0x9;
	v9 =	vshrl.u32 v12, $0x9;
	[tilespmem:v7+s16+$0x0] =	vst.idx.add.f32.msk $0xffff, v1;
	v7 =	vand.u32 $0x1FF, v12  }
.LBB2_7:
0xe2: {  	s25 =	sadd.s32 $0xA0, s25;
	[tilespmem:v10+s16+$0x0] =	vst.idx.add.f32.msk $0xffff, v1;
	s23 =	sadd.s32 $0xA0, s23  }
0xe3: {  	p0 =	slt.u32 s25, $0x2620;
	[tilespmem:v4+s16+$0x0] =	vst.idx.add.f32.msk $0xffff, v1  }
0xe4: {  	[tilespmem:v5+s15+$0x0] =	vst.idx.add.f32.msk $0xffff, v1  }
0xe5: {  	[tilespmem:v3+s16+$0x0] =	vst.idx.add.f32.msk $0xffff, v1  }
0xe6: {  	[tilespmem:v6+s15+$0x0] =	vst.idx.add.f32.msk $0xffff, v1  }
0xe7: {  	[tilespmem:v7+s15+$0x0] =	vst.idx.add.f32.msk $0xffff, v1  }
0xe8: {  	[tilespmem:v11+s16+$0x0] =	vst.idx.add.f32.msk $0xffff, v1  }
0xe9: {  	[tilespmem:v8+s15+$0x0] =	vst.idx.add.f32.msk $0xffff, v1  }
0xea: {  	[tilespmem:v9+s16+$0x0] =	vst.idx.add.f32.msk $0xffff, v1  }
0xeb: {  	[tilespmem:v2+s16+$0x0] =	vst.idx.add.f32.msk $0xffff, v1  }
0xec: {  	v2 =	vld [tilespmem:s23+$0xFFFFFFB0]  }
0xed: {  	v3 =	vld [tilespmem:s23+$0x40]  }
0xee: {  	v4 =	vld [tilespmem:s23+$0x30]  }
0xef: {  	v5 =	vld [tilespmem:s23+$0x20]  }
0xf0: {  	v6 =	vld [tilespmem:s23+$0x10]  }
0xf1: {  	v7 =	vand.u32 $0x1FF, v2;
	v8 =	vld [tilespmem:s23+$0x0]  }
0xf2: {  	v2 =	vshrl.u32 v2, $0x9;
	v9 =	vld [tilespmem:s23+$0xFFFFFFF0];
	v11 =	vand.u32 $0x1FF, v3  }
0xf3: {  	v14 =	vshrl.u32 v3, $0x9;
	v12 =	vld [tilespmem:s23+$0xFFFFFFE0];
	v13 =	vand.u32 $0x1FF, v4  }
0xf4: {  	v15 =	vld [tilespmem:s23+$0xFFFFFFD0];
	v16 =	vand.u32 $0x1FF, v5  }
0xf5: {  	v20 =	vshrl.u32 v4, $0x9;
	v19 =	vshrl.u32 v5, $0x9;
	v17 =	vld [tilespmem:s23+$0xFFFFFFC0];
	v18 =	vand.u32 $0x1FF, v6  }
0xf6: {  	v4 =	vshrl.u32 v6, $0x9;
	[tilespmem:v7+s15+$0x0] =	vst.idx.add.f32.msk $0xffff, v1;
	v21 =	vand.u32 $0x1FF, v8  }
0xf7: {  	v10 =	vshrl.u32 v8, $0x9;
	v3 =	vshrl.u32 v9, $0x9;
	v5 =	vand.u32 $0x1FF, v9;
	[tilespmem:v11+s15+$0x0] =	vst.idx.add.f32.msk $0xffff, v1  }
0xf8: {  	[tilespmem:v2+s16+$0x0] =	vst.idx.add.f32.msk $0xffff, v1;
	v6 =	vand.u32 $0x1FF, v12  }
0xf9: {  	v7 =	vand.u32 $0x1FF, v15;
	[tilespmem:v14+s16+$0x0] =	vst.idx.add.f32.msk $0xffff, v1  }
0xfa: {  	v2 =	vshrl.u32 v17, $0x9;
	v8 =	vand.u32 $0x1FF, v17;
	[tilespmem:v13+s15+$0x0] =	vst.idx.add.f32.msk $0xffff, v1  }
.Ltmp2:
0xfb: {  	v9 =	vshrl.u32 v15, $0x9;
	[tilespmem:v16+s15+$0x0] =	vst.idx.add.f32.msk $0xffff, v1;
	(pc) =	sbr.rel @p0 .LBB2_7-.Ltmp2, $4  }
0xfc: {  	v11 =	vshrl.u32 v12, $0x9;
	[tilespmem:v20+s16+$0x0] =	vst.idx.add.f32.msk $0xffff, v1  }
0xfd: {  	[tilespmem:v18+s15+$0x0] =	vst.idx.add.f32.msk $0xffff, v1  }
0xfe: {  	[tilespmem:v19+s16+$0x0] =	vst.idx.add.f32.msk $0xffff, v1  }
0xff: {  	[tilespmem:v21+s15+$0x0] =	vst.idx.add.f32.msk $0xffff, v1  }
0x100: {  	_ =	sdelay $0x3  }
0x101: {  	[tilespmem:v10+s16+$0x0] =	vst.idx.add.f32.msk $0xffff, v1  }
0x102: {  	[tilespmem:v4+s16+$0x0] =	vst.idx.add.f32.msk $0xffff, v1  }
0x103: {  	[tilespmem:v5+s15+$0x0] =	vst.idx.add.f32.msk $0xffff, v1  }
0x104: {  	[tilespmem:v6+s15+$0x0] =	vst.idx.add.f32.msk $0xffff, v1  }
0x105: {  	[tilespmem:v7+s15+$0x0] =	vst.idx.add.f32.msk $0xffff, v1  }
0x106: {  	[tilespmem:v8+s15+$0x0] =	vst.idx.add.f32.msk $0xffff, v1  }
0x107: {  	[tilespmem:v3+s16+$0x0] =	vst.idx.add.f32.msk $0xffff, v1  }
0x108: {  	[tilespmem:v11+s16+$0x0] =	vst.idx.add.f32.msk $0xffff, v1  }
0x109: {  	[tilespmem:v9+s16+$0x0] =	vst.idx.add.f32.msk $0xffff, v1  }
0x10a: {  	s23 =	simm.s32 $0x26B0;
	[tilespmem:v2+s16+$0x0] =	vst.idx.add.f32.msk $0xffff, v1  }
.LBB2_9:
0x10b: {  	v2 =	vld [tilespmem:s24+$0x0];
	_ =	sdelay $0x4  }
0x10c: {  	s23 =	sadd.s32 $0x10, s23;
	v3 =	vand.u32 $0x1FF, v2  }
0x10d: {  	p0 =	slt.u32 s23, $0x2700;
	v2 =	vshrl.u32 v2, $0x9  }
.Ltmp3:
0x10e: {  	_ = 	snop;
	(pc) =	sbr.rel @p0 .LBB2_9-.Ltmp3, $3  }
0x10f: {  	_ =	sdelay $0x1  }
0x110: {  	[tilespmem:v3+s15+$0x0] =	vst.idx.add.f32.msk $0xffff, v1  }
0x111: {  	s24 =	sadd.s32 $0x10, s24;
	[tilespmem:v2+s16+$0x0] =	vst.idx.add.f32.msk $0xffff, v1  }
0x112: {  	s23 =	smul.u32 $0x4200, s21  }
0x113: {  	s24 =	smul.u32 $0x160, s22  }
0x114: {  	s30 =	smul.u32 $0x3300, s21  }
0x115: {  	s31 =	smul.u32 $0x110, s22;
	s20 =	sadd.s32 $0x1, s20  }
0x116: {  	p0 =	sne.s32 s20, $0x6;
	s23 =	sadd.s32 s24, s23  }
.Ltmp4:
0x117: {  	s21 =	sadd.s32 s31, s30;
	s23 =	sshrl.u32 s23, $0x3;
	(pc) =	sbr.rel @p0 .LBB2_2-.Ltmp4, $4  }
0x118: {  	s21 =	sshrl.u32 s21, $0x3;
	s23 =	sadd.s32 s5, s23  }
0x119: {  	[hbm4b:s23+s3] =	stream.linear.scatter [tilespmem:s15], [sflag:$0x4], $0x160, $0x38;
	[tilespmem:$0x5300] =	vst v63  }
0x11a: {  	s21 =	sadd.s32 s6, s21  }
0x11b: {  	[hbm4b:s21+s3] =	stream.linear.scatter [tilespmem:s16], [sflag:$0x4], $0x110, $0x38;
	[tilespmem:$0x5300] =	vst v63  }
0x11c: {  	_ =	swait.ge [sflag:s17], $0x160  }
0x11d: {  	[sflag:s17] =	ssyncset.done $0x0  }
0x11e: {  	[sflag:s17] =	ssyncadd.s32 $0xFFFFFEA0  }
0x11f: {  	_ =	swait.ge [sflag:s17], $0x110  }
0x120: {  	[sflag:s17] =	ssyncset.done $0x0  }
0x121: {  	s19 =	sadd.s32 $0x1, s19;
	[sflag:s17] =	ssyncadd.s32 $0xFFFFFEF0  }
0x122: {  	p0 =	sne.s32 s19, s9;
	_ =	swait.ge [sflag:s18], $0x160  }
.Ltmp5:
0x123: {  	[sflag:s18] =	ssyncset.done $0x0;
	(pc) =	sbr.rel @p0 .LBB2_1-.Ltmp5, $4  }
0x124: {  	[sflag:s18] =	ssyncadd.s32 $0xFFFFFEA0  }
0x125: {  	_ =	swait.ge [sflag:s18], $0x110  }
0x126: {  	[sflag:s18] =	ssyncset.done $0x0  }
0x127: {  	[sflag:s18] =	ssyncadd.s32 $0xFFFFFEF0  }
0x128: {  	_ =	sfence.sel $0x180000  }
0x129: {  	[bflag:$0x0] =	sbarrier.arrive $0xFFFF  }
0x12a: {  	p0 =	sne.s32 s0, $0x0;
	_ =	strace $0x90000047  }
0x12b: {  	s0 =	sadd.s32 @!p0 $0x100000, s1;
	[bflag:$0x2] =	sbarrier.arrive $0xFFFF  }
0x12c: {  	[sflag:s0] =	ssyncadd.tile.s32 @!p0 $0x1;
	_ =	shalt  }
.Lfunc_end2:
_tile_overlayer_lowered:
.L_overlay_start_2:
0x12d: {  	(tag) =	ssettag $0x2  }
0x12e: {  	s0 =	rddreg [dreg:$0x0];
	s2 =	stileid.u32  }
0x12f: {  	s1 =	rddreg [dreg:$0x1];
	p0 =	sne.s32 s2, $0x0  }
0x130: {  	s3 =	rddreg [dreg:$0x2];
	[bflag:$0x3] =	sbarrier.arrive $0xFFFF;
	s2 =	simm.s32 @!p0 $0x1C05  }
0x131: {  	[timem:s3], [sflag:s2] =	dma.local @!p0 [hbm:s0], s1  }
0x132: {  	s0 =	simm.s32 @!p0 $0x5  }
0x133: {  	_ =	swait.ge @!p0 [sflag:s0], s1  }
0x134: {  	s1 =	ssub.s32 @!p0 $0x0, s1;
	[sflag:s0] =	ssyncset.done @!p0 $0x0  }
0x135: {  	[sflag:s0] =	ssyncadd.s32 @!p0 s1  }
0x136: {  	[bflag:$0x3] =	sbarrier.arrive $0xFFFF  }
0x137: {  	_ =	shalt  }

</sc_bundles>
